<compile_context>
chip_gen: v7x
topology: tpu7x:2x2x1
jax: 0.10.2.dev20260603
libtpu: 0.0.44.dev20260713+nightly
codegen_flags: <defaults>
</compile_context>

<pallas_src>
import functools

import jax
import jax.numpy as jnp
from jax import lax
from jax.experimental import pallas as pl
from jax.experimental.pallas import tpu as pltpu
from jax.experimental.pallas import tpu_sc as plsc

N_TOK = 4096
D_IN = 768
D_HID = 512
D_OUT = 768
N_EXP = 8
BLK = 512
N_BLK = N_TOK // BLK
LANES = 128
RROWS = BLK // LANES


def _shift_lanes_right(a, k):
    return jnp.concatenate([jnp.zeros((1, k), a.dtype), a[:, :-k]], axis=1)


def _router_rank_kernel(x_ref, wg_ref, bg_ref, rank_ref, hist_ref,
                        carry_scr, eid_scr, rank_scr):
    i = pl.program_id(0)

    @pl.when(i == 0)
    def _init():
        carry_scr[...] = jnp.zeros((1, LANES), jnp.float32)

    def _phase0():
        b = i
        logits8 = jnp.dot(x_ref[...], wg_ref[...],
                          preferred_element_type=jnp.float32) + bg_ref[...]
        logits = jnp.concatenate(
            [logits8, jnp.full((BLK, LANES - N_EXP), -1e30, jnp.float32)],
            axis=1)
        m = jnp.max(logits, axis=1, keepdims=True)
        lane = lax.broadcasted_iota(jnp.int32, (BLK, LANES), 1)
        eid = jnp.min(jnp.where(logits == m, lane, LANES), axis=1,
                      keepdims=True)
        onehot = (lane == eid).astype(jnp.float32)
        row = lax.broadcasted_iota(jnp.int32, (BLK, BLK), 0)
        col = lax.broadcasted_iota(jnp.int32, (BLK, BLK), 1)
        tril = (row >= col).astype(jnp.float32)
        within_incl = jnp.dot(tril, onehot,
                              preferred_element_type=jnp.float32)
        prefix = jnp.sum((within_incl + carry_scr[...]) * onehot,
                         axis=1, keepdims=True) - 1.0
        rank_scr[pl.ds(b * RROWS, RROWS), :] = (
            prefix.astype(jnp.int32).reshape(RROWS, LANES))
        eid_scr[pl.ds(b * RROWS, RROWS), :] = eid.reshape(RROWS, LANES)
        carry_scr[...] = carry_scr[...] + jnp.sum(onehot, axis=0,
                                                  keepdims=True)

    _phase0()

    @pl.when(i == N_BLK - 1)
    def _fixup():
        hist = carry_scr[...]
        incl = hist
        for k in (1, 2, 4):
            incl = incl + _shift_lanes_right(incl, k)
        start = incl - hist
        lane = lax.broadcasted_iota(jnp.int32, (1, LANES), 1)
        eid = eid_scr[...]
        corr = jnp.zeros((N_BLK * RROWS, LANES), jnp.int32)
        for e in range(N_EXP):
            s_e = jnp.sum(start * (lane == e).astype(jnp.float32),
                          axis=1, keepdims=True).astype(jnp.int32)
            corr = corr + jnp.where(eid == e, s_e, 0)
        rank_ref[...] = rank_scr[...] + corr

    hist_ref[...] = carry_scr[...].astype(jnp.int32)


def _router_rank(x, Wg, bg2d):
    return pl.pallas_call(
        _router_rank_kernel,
        grid=(N_BLK,),
        in_specs=[
            pl.BlockSpec((BLK, D_IN), lambda i: (i, 0)),
            pl.BlockSpec((D_IN, N_EXP), lambda i: (0, 0)),
            pl.BlockSpec((1, N_EXP), lambda i: (0, 0)),
        ],
        out_specs=[
            pl.BlockSpec((N_BLK * RROWS, LANES), lambda i: (0, 0)),
            pl.BlockSpec((1, LANES), lambda i: (0, 0)),
        ],
        out_shape=[
            jax.ShapeDtypeStruct((N_BLK * RROWS, LANES), jnp.int32),
            jax.ShapeDtypeStruct((1, LANES), jnp.int32),
        ],
        scratch_shapes=[
            pltpu.VMEM((1, LANES), jnp.float32),
            pltpu.VMEM((N_BLK * RROWS, LANES), jnp.int32),
            pltpu.VMEM((N_BLK * RROWS, LANES), jnp.int32),
        ],
    )(x, Wg, bg2d)


def _group_gemm_kernel(hist_ref, xs_ref, w1_ref, b1_ref, wout_ref,
                       bout_ref, out_ref, acc_scr, starts_scr):
    tile_base = pl.program_id(0) * BLK
    s = jnp.int32(0)
    e_lo = jnp.int32(0)
    e_hi = jnp.int32(0)
    starts_scr[0] = 0
    for e in range(N_EXP):
        e_lo = e_lo + jnp.where(s + hist_ref[e] <= tile_base, 1, 0)
        e_hi = e_hi + jnp.where(s < tile_base + BLK, 1, 0)
        s = s + hist_ref[e]
        starts_scr[e + 1] = s
    r = lax.broadcasted_iota(jnp.int32, (BLK, 1), 0) + tile_base

    def body(e, _):
        h = jnp.maximum(
            jnp.dot(xs_ref[...], w1_ref[e],
                    preferred_element_type=jnp.float32)
            + b1_ref[e][None, :], 0.0)
        mask = jnp.logical_and(r >= starts_scr[e], r < starts_scr[e + 1])
        acc_scr[...] = jnp.where(mask, h, acc_scr[...])
        return 0

    lax.fori_loop(e_lo, e_hi, body, 0)
    out_ref[...] = jnp.dot(acc_scr[...], wout_ref[...],
                           preferred_element_type=jnp.float32) + bout_ref[...]


def _group_gemm(hist128, xs, W1, b1, Wout, bout2d):
    return pl.pallas_call(
        _group_gemm_kernel,
        grid=(N_BLK,),
        in_specs=[
            pl.BlockSpec(memory_space=pltpu.SMEM),
            pl.BlockSpec((BLK, D_IN), lambda i: (i, 0)),
            pl.BlockSpec((N_EXP, D_IN, D_HID), lambda i: (0, 0, 0)),
            pl.BlockSpec((N_EXP, D_HID), lambda i: (0, 0)),
            pl.BlockSpec((D_HID, D_OUT), lambda i: (0, 0)),
            pl.BlockSpec((1, D_OUT), lambda i: (0, 0)),
        ],
        out_specs=pl.BlockSpec((BLK, D_OUT), lambda i: (i, 0)),
        out_shape=jax.ShapeDtypeStruct((N_TOK, D_OUT), jnp.float32),
        scratch_shapes=[pltpu.VMEM((BLK, D_HID), jnp.float32),
                        pltpu.SMEM((N_EXP + 1,), jnp.int32)],
    )(hist128, xs, W1, b1, Wout, bout2d)


_NC = 2
_NS = 16
_NW = _NC * _NS
_RPW = N_TOK // _NW


@functools.lru_cache(maxsize=None)
def _make_sc_permute(d_model, invert):
    mesh = plsc.VectorSubcoreMesh(core_axis_name="c", subcore_axis_name="s")

    half = _RPW // 2

    @functools.partial(
        pl.kernel, mesh=mesh,
        out_type=jax.ShapeDtypeStruct((N_TOK, d_model), jnp.float32),
        scratch_types=[
            pltpu.VMEM((half,), jnp.int32),
            pltpu.VMEM((half,), jnp.int32),
            pltpu.VMEM((_RPW, d_model), jnp.float32),
            pltpu.SemaphoreType.DMA,
            pltpu.SemaphoreType.DMA,
            pltpu.SemaphoreType.DMA,
        ],
    )
    def k(src_hbm, idx_hbm, out_hbm, i0, i1, rows_v, s0, s1, so):
        wid = lax.axis_index("s") * _NC + lax.axis_index("c")
        base = wid * _RPW
        idx = [i0, i1]
        sem = [s0, s1]
        ics = [pltpu.async_copy(idx_hbm.at[pl.ds(base + c * half, half)],
                                idx[c], so) for c in range(2)]

        def chunk(c):
            return rows_v.at[pl.ds(c * half, half)]

        wcs = []
        if invert:
            rcs = []
            for c in range(2):
                ics[c].wait()
                rcs.append(pltpu.async_copy(src_hbm.at[idx[c]], chunk(c),
                                            sem[c]))
            for c in range(2):
                rcs[c].wait()
                wcs.append(pltpu.async_copy(
                    chunk(c), out_hbm.at[pl.ds(base + c * half, half)], so))
        else:
            rcs = [pltpu.async_copy(src_hbm.at[pl.ds(base + c * half, half)],
                                    chunk(c), sem[c]) for c in range(2)]
            for c in range(2):
                ics[c].wait()
            for c in range(2):
                rcs[c].wait()
                wcs.append(pltpu.async_copy(chunk(c), out_hbm.at[idx[c]],
                                            so))
        for w in wcs:
            w.wait()

    return k


def kernel(x, Wg, bg, W1, b1, Wout, bout):
    rank2d, hist2d = _router_rank(x, Wg, bg.reshape(1, N_EXP))
    rank = rank2d.reshape(N_TOK)
    hist128 = hist2d.reshape(LANES)
    xs = _make_sc_permute(D_IN, False)(x, rank)
    out_sorted = _group_gemm(hist128, xs, W1, b1, Wout,
                             bout.reshape(1, D_OUT))
    return _make_sc_permute(D_OUT, True)(out_sorted, rank)

# --- scband reference (transcript-rebuilt; emitter-appended) ---
"""Pipeline reference for scband-mo-e-mlp-19387482374735 (READ-ONLY COPY).

The authoritative reference and input builder live on the scoring server;
editing this copy changes nothing except your own understanding.
"""

import jax, jax.numpy as jnp
import numpy as np

N_TOKENS = 4096
D_IN = 768
D_OUT = 768
D_BLOCK = 512
NUM_EXPERTS = 8
TOP_K = 1


def setup_inputs(seed: int = 0) -> dict:
    key = jax.random.key(seed)
    ks = jax.random.split(key, 8)
    x = jax.random.normal(ks[0], (N_TOKENS, D_IN), dtype=jnp.float32)
    Wg = jax.random.normal(ks[1], (D_IN, NUM_EXPERTS), dtype=jnp.float32) * 0.02
    bg = jnp.zeros((NUM_EXPERTS,), dtype=jnp.float32)
    W1 = jax.random.normal(ks[2], (NUM_EXPERTS, D_IN, D_BLOCK), dtype=jnp.float32) * 0.02
    b1 = jnp.zeros((NUM_EXPERTS, D_BLOCK), dtype=jnp.float32)
    Wout = jax.random.normal(ks[3], (D_BLOCK, D_OUT), dtype=jnp.float32) * 0.02
    bout = jnp.zeros((D_OUT,), dtype=jnp.float32)
    return {"x": x, "Wg": Wg, "bg": bg, "W1": W1, "b1": b1, "Wout": Wout, "bout": bout}


def reference(x, Wg, bg, W1, b1, Wout, bout):
    # Top-k router: linear gate -> top-k -> softmax over selected logits,
    # scattered back into a dense [N, E] weight matrix (zeros elsewhere).
    logits = x @ Wg + bg
    top_vals, top_idx = jax.lax.top_k(logits, TOP_K)
    gate = jax.nn.softmax(top_vals, axis=-1)
    n = x.shape[0]
    weights = jnp.zeros((n, NUM_EXPERTS), dtype=x.dtype)
    weights = weights.at[jnp.arange(n)[:, None], top_idx].set(gate)
    # Expert computation: tokens whose weight is zero contribute nothing,
    # matching the masked gather/scatter of the original torch forward.
    outs = jnp.zeros((n, D_OUT), dtype=x.dtype)
    for ei in range(NUM_EXPERTS):
        h = jax.nn.relu(x @ W1[ei] + b1[ei])  # MLPExpert with n_blocks=1, dropout=0
        o = h @ Wout + bout                   # shared output projection
        outs = outs + o * weights[:, ei:ei + 1]
    return outs

if __name__ == "__main__":
    import jax
    _d = setup_inputs()
    print(jax.jit(kernel)(*tuple(_d.values())))

</pallas_src>

<mosaic_0001>
#map = affine_map<(d0, d1) -> (0, 0)>
#map1 = affine_map<(d0, d1) -> (0)>
module attributes {stable_mosaic.version = 14 : i64} {
  func.func @k(%arg0: i32, %arg1: i32, %arg2: memref<4096x768xf32, #tpu.memory_space<hbm>>, %arg3: memref<4096xi32, #tpu.memory_space<hbm>>, %arg4: memref<4096x768xf32, #tpu.memory_space<hbm>>, %arg5: memref<64xi32, #tpu.memory_space<vmem>>, %arg6: memref<64xi32, #tpu.memory_space<vmem>>, %arg7: memref<128x768xf32, #tpu.memory_space<vmem>>, %arg8: memref<!tpu.dma_semaphore, #tpu.memory_space<semaphore_mem>>, %arg9: memref<!tpu.dma_semaphore, #tpu.memory_space<semaphore_mem>>, %arg10: memref<!tpu.dma_semaphore, #tpu.memory_space<semaphore_mem>>) attributes {dimension_semantics = [#tpu.dimension_semantics<core_parallel>, #tpu.dimension_semantics<subcore_parallel>], iteration_bounds = array<i64: 2, 16>, scalar_prefetch = 0 : i64, scratch_operands = 6 : i64, tpu.core_type = #tpu.core_type<sc_vector_subcore>, window_params = [{transform_indices = #map}, {transform_indices = #map1}, {transform_indices = #map}]} {
    %mul3A = arith.constant 2 : i32
    %mul3A_0 = arith.muli %arg1, %mul3A : i32
    %add3A = arith.addi %mul3A_0, %arg0 : i32
    %mul3A_1 = arith.constant 128 : i32
    %mul3A_2 = arith.muli %add3A, %mul3A_1 : i32
    %add3A_3 = arith.constant 0 : i32
    %add3A_4 = arith.addi %mul3A_2, %add3A_3 : i32
    %dma_start3A = tpu.memref_slice %arg3[%add3A_4] : memref<4096xi32, #tpu.memory_space<hbm>> -> memref<64xi32, #tpu.memory_space<hbm>>
    %dma_start3A_5 = tpu.memref_slice %arg3[%add3A_4] : memref<4096xi32, #tpu.memory_space<hbm>> -> memref<64xi32, #tpu.memory_space<hbm>>
    tpu.enqueue_dma source(%dma_start3A_5 : memref<64xi32, #tpu.memory_space<hbm>>) target(%arg5 : memref<64xi32, #tpu.memory_space<vmem>>) target_semaphore(%arg10 : memref<!tpu.dma_semaphore, #tpu.memory_space<semaphore_mem>>)
    %add3A_6 = arith.constant 64 : i32
    %add3A_7 = arith.addi %mul3A_2, %add3A_6 : i32
    %dma_start3A_8 = tpu.memref_slice %arg3[%add3A_7] : memref<4096xi32, #tpu.memory_space<hbm>> -> memref<64xi32, #tpu.memory_space<hbm>>
    %dma_start3A_9 = tpu.memref_slice %arg3[%add3A_7] : memref<4096xi32, #tpu.memory_space<hbm>> -> memref<64xi32, #tpu.memory_space<hbm>>
    tpu.enqueue_dma source(%dma_start3A_9 : memref<64xi32, #tpu.memory_space<hbm>>) target(%arg6 : memref<64xi32, #tpu.memory_space<vmem>>) target_semaphore(%arg10 : memref<!tpu.dma_semaphore, #tpu.memory_space<semaphore_mem>>)
    %dma_wait3A = tpu.memref_slice %arg3[%add3A_4] : memref<4096xi32, #tpu.memory_space<hbm>> -> memref<64xi32, #tpu.memory_space<hbm>>
    %dma_wait3A_10 = tpu.memref_slice %arg3[%add3A_4] : memref<4096xi32, #tpu.memory_space<hbm>> -> memref<64xi32, #tpu.memory_space<hbm>>
    tpu.wait_dma2 semaphore(%arg10 : memref<!tpu.dma_semaphore, #tpu.memory_space<semaphore_mem>>) src(%dma_wait3A_10 : memref<64xi32, #tpu.memory_space<hbm>>) dst(%arg5 : memref<64xi32, #tpu.memory_space<vmem>>)
    %dma_start3A_11 = arith.constant 0 : i32
    %dma_start3A_12 = arith.constant 0 : i32
    %dma_start3A_13 = tpu.memref_slice %arg7[%dma_start3A_11, %dma_start3A_12] : memref<128x768xf32, #tpu.memory_space<vmem>> -> memref<64x768xf32, #tpu.memory_space<vmem>>
    %dma_start3A_14 = arith.constant 0 : i32
    %dma_start3A_15 = arith.constant 0 : i32
    %dma_start3A_16 = tpu.memref_slice %arg2[%dma_start3A_14, %dma_start3A_15] : memref<4096x768xf32, #tpu.memory_space<hbm>> -> memref<4096x768xf32, #tpu.memory_space<hbm>>
    tpu.enqueue_indirect_dma source(%dma_start3A_16 : memref<4096x768xf32, #tpu.memory_space<hbm>>) target(%dma_start3A_13 : memref<64x768xf32, #tpu.memory_space<vmem>>) offsets(%arg5 : memref<64xi32, #tpu.memory_space<vmem>>) semaphore(%arg8 : memref<!tpu.dma_semaphore, #tpu.memory_space<semaphore_mem>>)
    %dma_wait3A_17 = tpu.memref_slice %arg3[%add3A_7] : memref<4096xi32, #tpu.memory_space<hbm>> -> memref<64xi32, #tpu.memory_space<hbm>>
    %dma_wait3A_18 = tpu.memref_slice %arg3[%add3A_7] : memref<4096xi32, #tpu.memory_space<hbm>> -> memref<64xi32, #tpu.memory_space<hbm>>
    tpu.wait_dma2 semaphore(%arg10 : memref<!tpu.dma_semaphore, #tpu.memory_space<semaphore_mem>>) src(%dma_wait3A_18 : memref<64xi32, #tpu.memory_space<hbm>>) dst(%arg6 : memref<64xi32, #tpu.memory_space<vmem>>)
    %dma_start3A_19 = arith.constant 64 : i32
    %dma_start3A_20 = arith.constant 0 : i32
    %dma_start3A_21 = tpu.memref_slice %arg7[%dma_start3A_19, %dma_start3A_20] : memref<128x768xf32, #tpu.memory_space<vmem>> -> memref<64x768xf32, #tpu.memory_space<vmem>>
    %dma_start3A_22 = arith.constant 0 : i32
    %dma_start3A_23 = arith.constant 0 : i32
    %dma_start3A_24 = tpu.memref_slice %arg2[%dma_start3A_22, %dma_start3A_23] : memref<4096x768xf32, #tpu.memory_space<hbm>> -> memref<4096x768xf32, #tpu.memory_space<hbm>>
    tpu.enqueue_indirect_dma source(%dma_start3A_24 : memref<4096x768xf32, #tpu.memory_space<hbm>>) target(%dma_start3A_21 : memref<64x768xf32, #tpu.memory_space<vmem>>) offsets(%arg6 : memref<64xi32, #tpu.memory_space<vmem>>) semaphore(%arg9 : memref<!tpu.dma_semaphore, #tpu.memory_space<semaphore_mem>>)
    %dma_wait3A_25 = arith.constant 0 : i32
    %dma_wait3A_26 = arith.constant 0 : i32
    %dma_wait3A_27 = tpu.memref_slice %arg7[%dma_wait3A_25, %dma_wait3A_26] : memref<128x768xf32, #tpu.memory_space<vmem>> -> memref<64x768xf32, #tpu.memory_space<vmem>>
    %dma_wait3A_28 = arith.constant 0 : i32
    %dma_wait3A_29 = arith.constant 0 : i32
    %dma_wait3A_30 = tpu.memref_slice %arg2[%dma_wait3A_28, %dma_wait3A_29] : memref<4096x768xf32, #tpu.memory_space<hbm>> -> memref<4096x768xf32, #tpu.memory_space<hbm>>
    tpu.wait_indirect_dma semaphore(%arg8 : memref<!tpu.dma_semaphore, #tpu.memory_space<semaphore_mem>>) src(%dma_wait3A_30 : memref<4096x768xf32, #tpu.memory_space<hbm>>) dst(%dma_wait3A_27 : memref<64x768xf32, #tpu.memory_space<vmem>>)
    %add3A_31 = arith.constant 0 : i32
    %add3A_32 = arith.addi %mul3A_2, %add3A_31 : i32
    %dma_start3A_33 = arith.constant 0 : i32
    %dma_start3A_34 = arith.constant 0 : i32
    %dma_start3A_35 = tpu.memref_slice %arg7[%dma_start3A_33, %dma_start3A_34] : memref<128x768xf32, #tpu.memory_space<vmem>> -> memref<64x768xf32, #tpu.memory_space<vmem>>
    %dma_start3A_36 = arith.constant 0 : i32
    %dma_start3A_37 = tpu.memref_slice %arg4[%add3A_32, %dma_start3A_36] : memref<4096x768xf32, #tpu.memory_space<hbm>> -> memref<64x768xf32, #tpu.memory_space<hbm>>
    %dma_start3A_38 = arith.constant 0 : i32
    %dma_start3A_39 = tpu.memref_slice %arg4[%add3A_32, %dma_start3A_38] : memref<4096x768xf32, #tpu.memory_space<hbm>> -> memref<64x768xf32, #tpu.memory_space<hbm>>
    %dma_start3A_40 = arith.constant 0 : i32
    %dma_start3A_41 = arith.constant 0 : i32
    %dma_start3A_42 = tpu.memref_slice %arg7[%dma_start3A_40, %dma_start3A_41] : memref<128x768xf32, #tpu.memory_space<vmem>> -> memref<64x768xf32, #tpu.memory_space<vmem>>
    tpu.enqueue_dma source(%dma_start3A_42 : memref<64x768xf32, #tpu.memory_space<vmem>>) target(%dma_start3A_39 : memref<64x768xf32, #tpu.memory_space<hbm>>) target_semaphore(%arg10 : memref<!tpu.dma_semaphore, #tpu.memory_space<semaphore_mem>>)
    %dma_wait3A_43 = arith.constant 64 : i32
    %dma_wait3A_44 = arith.constant 0 : i32
    %dma_wait3A_45 = tpu.memref_slice %arg7[%dma_wait3A_43, %dma_wait3A_44] : memref<128x768xf32, #tpu.memory_space<vmem>> -> memref<64x768xf32, #tpu.memory_space<vmem>>
    %dma_wait3A_46 = arith.constant 0 : i32
    %dma_wait3A_47 = arith.constant 0 : i32
    %dma_wait3A_48 = tpu.memref_slice %arg2[%dma_wait3A_46, %dma_wait3A_47] : memref<4096x768xf32, #tpu.memory_space<hbm>> -> memref<4096x768xf32, #tpu.memory_space<hbm>>
    tpu.wait_indirect_dma semaphore(%arg9 : memref<!tpu.dma_semaphore, #tpu.memory_space<semaphore_mem>>) src(%dma_wait3A_48 : memref<4096x768xf32, #tpu.memory_space<hbm>>) dst(%dma_wait3A_45 : memref<64x768xf32, #tpu.memory_space<vmem>>)
    %add3A_49 = arith.constant 64 : i32
    %add3A_50 = arith.addi %mul3A_2, %add3A_49 : i32
    %dma_start3A_51 = arith.constant 64 : i32
    %dma_start3A_52 = arith.constant 0 : i32
    %dma_start3A_53 = tpu.memref_slice %arg7[%dma_start3A_51, %dma_start3A_52] : memref<128x768xf32, #tpu.memory_space<vmem>> -> memref<64x768xf32, #tpu.memory_space<vmem>>
    %dma_start3A_54 = arith.constant 0 : i32
    %dma_start3A_55 = tpu.memref_slice %arg4[%add3A_50, %dma_start3A_54] : memref<4096x768xf32, #tpu.memory_space<hbm>> -> memref<64x768xf32, #tpu.memory_space<hbm>>
    %dma_start3A_56 = arith.constant 0 : i32
    %dma_start3A_57 = tpu.memref_slice %arg4[%add3A_50, %dma_start3A_56] : memref<4096x768xf32, #tpu.memory_space<hbm>> -> memref<64x768xf32, #tpu.memory_space<hbm>>
    %dma_start3A_58 = arith.constant 64 : i32
    %dma_start3A_59 = arith.constant 0 : i32
    %dma_start3A_60 = tpu.memref_slice %arg7[%dma_start3A_58, %dma_start3A_59] : memref<128x768xf32, #tpu.memory_space<vmem>> -> memref<64x768xf32, #tpu.memory_space<vmem>>
    tpu.enqueue_dma source(%dma_start3A_60 : memref<64x768xf32, #tpu.memory_space<vmem>>) target(%dma_start3A_57 : memref<64x768xf32, #tpu.memory_space<hbm>>) target_semaphore(%arg10 : memref<!tpu.dma_semaphore, #tpu.memory_space<semaphore_mem>>)
    %dma_wait3A_61 = arith.constant 0 : i32
    %dma_wait3A_62 = arith.constant 0 : i32
    %dma_wait3A_63 = tpu.memref_slice %arg7[%dma_wait3A_61, %dma_wait3A_62] : memref<128x768xf32, #tpu.memory_space<vmem>> -> memref<64x768xf32, #tpu.memory_space<vmem>>
    %dma_wait3A_64 = arith.constant 0 : i32
    %dma_wait3A_65 = tpu.memref_slice %arg4[%add3A_32, %dma_wait3A_64] : memref<4096x768xf32, #tpu.memory_space<hbm>> -> memref<64x768xf32, #tpu.memory_space<hbm>>
    %dma_wait3A_66 = arith.constant 0 : i32
    %dma_wait3A_67 = tpu.memref_slice %arg4[%add3A_32, %dma_wait3A_66] : memref<4096x768xf32, #tpu.memory_space<hbm>> -> memref<64x768xf32, #tpu.memory_space<hbm>>
    %dma_wait3A_68 = arith.constant 0 : i32
    %dma_wait3A_69 = arith.constant 0 : i32
    %dma_wait3A_70 = tpu.memref_slice %arg7[%dma_wait3A_68, %dma_wait3A_69] : memref<128x768xf32, #tpu.memory_space<vmem>> -> memref<64x768xf32, #tpu.memory_space<vmem>>
    tpu.wait_dma2 semaphore(%arg10 : memref<!tpu.dma_semaphore, #tpu.memory_space<semaphore_mem>>) src(%dma_wait3A_70 : memref<64x768xf32, #tpu.memory_space<vmem>>) dst(%dma_wait3A_67 : memref<64x768xf32, #tpu.memory_space<hbm>>)
    %dma_wait3A_71 = arith.constant 64 : i32
    %dma_wait3A_72 = arith.constant 0 : i32
    %dma_wait3A_73 = tpu.memref_slice %arg7[%dma_wait3A_71, %dma_wait3A_72] : memref<128x768xf32, #tpu.memory_space<vmem>> -> memref<64x768xf32, #tpu.memory_space<vmem>>
    %dma_wait3A_74 = arith.constant 0 : i32
    %dma_wait3A_75 = tpu.memref_slice %arg4[%add3A_50, %dma_wait3A_74] : memref<4096x768xf32, #tpu.memory_space<hbm>> -> memref<64x768xf32, #tpu.memory_space<hbm>>
    %dma_wait3A_76 = arith.constant 0 : i32
    %dma_wait3A_77 = tpu.memref_slice %arg4[%add3A_50, %dma_wait3A_76] : memref<4096x768xf32, #tpu.memory_space<hbm>> -> memref<64x768xf32, #tpu.memory_space<hbm>>
    %dma_wait3A_78 = arith.constant 64 : i32
    %dma_wait3A_79 = arith.constant 0 : i32
    %dma_wait3A_80 = tpu.memref_slice %arg7[%dma_wait3A_78, %dma_wait3A_79] : memref<128x768xf32, #tpu.memory_space<vmem>> -> memref<64x768xf32, #tpu.memory_space<vmem>>
    tpu.wait_dma2 semaphore(%arg10 : memref<!tpu.dma_semaphore, #tpu.memory_space<semaphore_mem>>) src(%dma_wait3A_80 : memref<64x768xf32, #tpu.memory_space<vmem>>) dst(%dma_wait3A_77 : memref<64x768xf32, #tpu.memory_space<hbm>>)
    return
  }
}

#map = affine_map<(d0, d1) -> (0, 0)>
#map1 = affine_map<(d0, d1) -> (0)>
module attributes {stable_mosaic.version = 14 : i64} {
  func.func @k(%arg0: i32, %arg1: i32, %arg2: memref<4096x768xf32, #tpu.memory_space<hbm>>, %arg3: memref<4096xi32, #tpu.memory_space<hbm>>, %arg4: memref<4096x768xf32, #tpu.memory_space<hbm>>, %arg5: memref<64xi32, #tpu.memory_space<vmem>>, %arg6: memref<64xi32, #tpu.memory_space<vmem>>, %arg7: memref<128x768xf32, #tpu.memory_space<vmem>>, %arg8: memref<!tpu.dma_semaphore, #tpu.memory_space<semaphore_mem>>, %arg9: memref<!tpu.dma_semaphore, #tpu.memory_space<semaphore_mem>>, %arg10: memref<!tpu.dma_semaphore, #tpu.memory_space<semaphore_mem>>) attributes {dimension_semantics = [#tpu.dimension_semantics<core_parallel>, #tpu.dimension_semantics<subcore_parallel>], iteration_bounds = array<i64: 2, 16>, scalar_prefetch = 0 : i64, scratch_operands = 6 : i64, tpu.core_type = #tpu.core_type<sc_vector_subcore>, window_params = [{transform_indices = #map}, {transform_indices = #map1}, {transform_indices = #map}]} {
    %mul3A = arith.constant 2 : i32
    %mul3A_0 = arith.muli %arg1, %mul3A : i32
    %add3A = arith.addi %mul3A_0, %arg0 : i32
    %mul3A_1 = arith.constant 128 : i32
    %mul3A_2 = arith.muli %add3A, %mul3A_1 : i32
    %add3A_3 = arith.constant 0 : i32
    %add3A_4 = arith.addi %mul3A_2, %add3A_3 : i32
    %dma_start3A = tpu.memref_slice %arg3[%add3A_4] : memref<4096xi32, #tpu.memory_space<hbm>> -> memref<64xi32, #tpu.memory_space<hbm>>
    %dma_start3A_5 = tpu.memref_slice %arg3[%add3A_4] : memref<4096xi32, #tpu.memory_space<hbm>> -> memref<64xi32, #tpu.memory_space<hbm>>
    tpu.enqueue_dma source(%dma_start3A_5 : memref<64xi32, #tpu.memory_space<hbm>>) target(%arg5 : memref<64xi32, #tpu.memory_space<vmem>>) target_semaphore(%arg10 : memref<!tpu.dma_semaphore, #tpu.memory_space<semaphore_mem>>)
    %add3A_6 = arith.constant 64 : i32
    %add3A_7 = arith.addi %mul3A_2, %add3A_6 : i32
    %dma_start3A_8 = tpu.memref_slice %arg3[%add3A_7] : memref<4096xi32, #tpu.memory_space<hbm>> -> memref<64xi32, #tpu.memory_space<hbm>>
    %dma_start3A_9 = tpu.memref_slice %arg3[%add3A_7] : memref<4096xi32, #tpu.memory_space<hbm>> -> memref<64xi32, #tpu.memory_space<hbm>>
    tpu.enqueue_dma source(%dma_start3A_9 : memref<64xi32, #tpu.memory_space<hbm>>) target(%arg6 : memref<64xi32, #tpu.memory_space<vmem>>) target_semaphore(%arg10 : memref<!tpu.dma_semaphore, #tpu.memory_space<semaphore_mem>>)
    %add3A_10 = arith.constant 0 : i32
    %add3A_11 = arith.addi %mul3A_2, %add3A_10 : i32
    %dma_start3A_12 = arith.constant 0 : i32
    %dma_start3A_13 = arith.constant 0 : i32
    %dma_start3A_14 = tpu.memref_slice %arg7[%dma_start3A_12, %dma_start3A_13] : memref<128x768xf32, #tpu.memory_space<vmem>> -> memref<64x768xf32, #tpu.memory_space<vmem>>
    %dma_start3A_15 = arith.constant 0 : i32
    %dma_start3A_16 = tpu.memref_slice %arg2[%add3A_11, %dma_start3A_15] : memref<4096x768xf32, #tpu.memory_space<hbm>> -> memref<64x768xf32, #tpu.memory_space<hbm>>
    %dma_start3A_17 = arith.constant 0 : i32
    %dma_start3A_18 = arith.constant 0 : i32
    %dma_start3A_19 = tpu.memref_slice %arg7[%dma_start3A_17, %dma_start3A_18] : memref<128x768xf32, #tpu.memory_space<vmem>> -> memref<64x768xf32, #tpu.memory_space<vmem>>
    %dma_start3A_20 = arith.constant 0 : i32
    %dma_start3A_21 = tpu.memref_slice %arg2[%add3A_11, %dma_start3A_20] : memref<4096x768xf32, #tpu.memory_space<hbm>> -> memref<64x768xf32, #tpu.memory_space<hbm>>
    tpu.enqueue_dma source(%dma_start3A_21 : memref<64x768xf32, #tpu.memory_space<hbm>>) target(%dma_start3A_19 : memref<64x768xf32, #tpu.memory_space<vmem>>) target_semaphore(%arg8 : memref<!tpu.dma_semaphore, #tpu.memory_space<semaphore_mem>>)
    %add3A_22 = arith.constant 64 : i32
    %add3A_23 = arith.addi %mul3A_2, %add3A_22 : i32
    %dma_start3A_24 = arith.constant 64 : i32
    %dma_start3A_25 = arith.constant 0 : i32
    %dma_start3A_26 = tpu.memref_slice %arg7[%dma_start3A_24, %dma_start3A_25] : memref<128x768xf32, #tpu.memory_space<vmem>> -> memref<64x768xf32, #tpu.memory_space<vmem>>
    %dma_start3A_27 = arith.constant 0 : i32
    %dma_start3A_28 = tpu.memref_slice %arg2[%add3A_23, %dma_start3A_27] : memref<4096x768xf32, #tpu.memory_space<hbm>> -> memref<64x768xf32, #tpu.memory_space<hbm>>
    %dma_start3A_29 = arith.constant 64 : i32
    %dma_start3A_30 = arith.constant 0 : i32
    %dma_start3A_31 = tpu.memref_slice %arg7[%dma_start3A_29, %dma_start3A_30] : memref<128x768xf32, #tpu.memory_space<vmem>> -> memref<64x768xf32, #tpu.memory_space<vmem>>
    %dma_start3A_32 = arith.constant 0 : i32
    %dma_start3A_33 = tpu.memref_slice %arg2[%add3A_23, %dma_start3A_32] : memref<4096x768xf32, #tpu.memory_space<hbm>> -> memref<64x768xf32, #tpu.memory_space<hbm>>
    tpu.enqueue_dma source(%dma_start3A_33 : memref<64x768xf32, #tpu.memory_space<hbm>>) target(%dma_start3A_31 : memref<64x768xf32, #tpu.memory_space<vmem>>) target_semaphore(%arg9 : memref<!tpu.dma_semaphore, #tpu.memory_space<semaphore_mem>>)
    %dma_wait3A = tpu.memref_slice %arg3[%add3A_4] : memref<4096xi32, #tpu.memory_space<hbm>> -> memref<64xi32, #tpu.memory_space<hbm>>
    %dma_wait3A_34 = tpu.memref_slice %arg3[%add3A_4] : memref<4096xi32, #tpu.memory_space<hbm>> -> memref<64xi32, #tpu.memory_space<hbm>>
    tpu.wait_dma2 semaphore(%arg10 : memref<!tpu.dma_semaphore, #tpu.memory_space<semaphore_mem>>) src(%dma_wait3A_34 : memref<64xi32, #tpu.memory_space<hbm>>) dst(%arg5 : memref<64xi32, #tpu.memory_space<vmem>>)
    %dma_wait3A_35 = tpu.memref_slice %arg3[%add3A_7] : memref<4096xi32, #tpu.memory_space<hbm>> -> memref<64xi32, #tpu.memory_space<hbm>>
    %dma_wait3A_36 = tpu.memref_slice %arg3[%add3A_7] : memref<4096xi32, #tpu.memory_space<hbm>> -> memref<64xi32, #tpu.memory_space<hbm>>
    tpu.wait_dma2 semaphore(%arg10 : memref<!tpu.dma_semaphore, #tpu.memory_space<semaphore_mem>>) src(%dma_wait3A_36 : memref<64xi32, #tpu.memory_space<hbm>>) dst(%arg6 : memref<64xi32, #tpu.memory_space<vmem>>)
    %dma_wait3A_37 = arith.constant 0 : i32
    %dma_wait3A_38 = arith.constant 0 : i32
    %dma_wait3A_39 = tpu.memref_slice %arg7[%dma_wait3A_37, %dma_wait3A_38] : memref<128x768xf32, #tpu.memory_space<vmem>> -> memref<64x768xf32, #tpu.memory_space<vmem>>
    %dma_wait3A_40 = arith.constant 0 : i32
    %dma_wait3A_41 = tpu.memref_slice %arg2[%add3A_11, %dma_wait3A_40] : memref<4096x768xf32, #tpu.memory_space<hbm>> -> memref<64x768xf32, #tpu.memory_space<hbm>>
    %dma_wait3A_42 = arith.constant 0 : i32
    %dma_wait3A_43 = arith.constant 0 : i32
    %dma_wait3A_44 = tpu.memref_slice %arg7[%dma_wait3A_42, %dma_wait3A_43] : memref<128x768xf32, #tpu.memory_space<vmem>> -> memref<64x768xf32, #tpu.memory_space<vmem>>
    %dma_wait3A_45 = arith.constant 0 : i32
    %dma_wait3A_46 = tpu.memref_slice %arg2[%add3A_11, %dma_wait3A_45] : memref<4096x768xf32, #tpu.memory_space<hbm>> -> memref<64x768xf32, #tpu.memory_space<hbm>>
    tpu.wait_dma2 semaphore(%arg8 : memref<!tpu.dma_semaphore, #tpu.memory_space<semaphore_mem>>) src(%dma_wait3A_46 : memref<64x768xf32, #tpu.memory_space<hbm>>) dst(%dma_wait3A_44 : memref<64x768xf32, #tpu.memory_space<vmem>>)
    %dma_start3A_47 = arith.constant 0 : i32
    %dma_start3A_48 = arith.constant 0 : i32
    %dma_start3A_49 = tpu.memref_slice %arg7[%dma_start3A_47, %dma_start3A_48] : memref<128x768xf32, #tpu.memory_space<vmem>> -> memref<64x768xf32, #tpu.memory_space<vmem>>
    %dma_start3A_50 = arith.constant 0 : i32
    %dma_start3A_51 = arith.constant 0 : i32
    %dma_start3A_52 = tpu.memref_slice %arg4[%dma_start3A_50, %dma_start3A_51] : memref<4096x768xf32, #tpu.memory_space<hbm>> -> memref<4096x768xf32, #tpu.memory_space<hbm>>
    tpu.enqueue_indirect_dma source(%dma_start3A_49 : memref<64x768xf32, #tpu.memory_space<vmem>>) target(%dma_start3A_52 : memref<4096x768xf32, #tpu.memory_space<hbm>>) offsets(%arg5 : memref<64xi32, #tpu.memory_space<vmem>>) semaphore(%arg10 : memref<!tpu.dma_semaphore, #tpu.memory_space<semaphore_mem>>)
    %dma_wait3A_53 = arith.constant 64 : i32
    %dma_wait3A_54 = arith.constant 0 : i32
    %dma_wait3A_55 = tpu.memref_slice %arg7[%dma_wait3A_53, %dma_wait3A_54] : memref<128x768xf32, #tpu.memory_space<vmem>> -> memref<64x768xf32, #tpu.memory_space<vmem>>
    %dma_wait3A_56 = arith.constant 0 : i32
    %dma_wait3A_57 = tpu.memref_slice %arg2[%add3A_23, %dma_wait3A_56] : memref<4096x768xf32, #tpu.memory_space<hbm>> -> memref<64x768xf32, #tpu.memory_space<hbm>>
    %dma_wait3A_58 = arith.constant 64 : i32
    %dma_wait3A_59 = arith.constant 0 : i32
    %dma_wait3A_60 = tpu.memref_slice %arg7[%dma_wait3A_58, %dma_wait3A_59] : memref<128x768xf32, #tpu.memory_space<vmem>> -> memref<64x768xf32, #tpu.memory_space<vmem>>
    %dma_wait3A_61 = arith.constant 0 : i32
    %dma_wait3A_62 = tpu.memref_slice %arg2[%add3A_23, %dma_wait3A_61] : memref<4096x768xf32, #tpu.memory_space<hbm>> -> memref<64x768xf32, #tpu.memory_space<hbm>>
    tpu.wait_dma2 semaphore(%arg9 : memref<!tpu.dma_semaphore, #tpu.memory_space<semaphore_mem>>) src(%dma_wait3A_62 : memref<64x768xf32, #tpu.memory_space<hbm>>) dst(%dma_wait3A_60 : memref<64x768xf32, #tpu.memory_space<vmem>>)
    %dma_start3A_63 = arith.constant 64 : i32
    %dma_start3A_64 = arith.constant 0 : i32
    %dma_start3A_65 = tpu.memref_slice %arg7[%dma_start3A_63, %dma_start3A_64] : memref<128x768xf32, #tpu.memory_space<vmem>> -> memref<64x768xf32, #tpu.memory_space<vmem>>
    %dma_start3A_66 = arith.constant 0 : i32
    %dma_start3A_67 = arith.constant 0 : i32
    %dma_start3A_68 = tpu.memref_slice %arg4[%dma_start3A_66, %dma_start3A_67] : memref<4096x768xf32, #tpu.memory_space<hbm>> -> memref<4096x768xf32, #tpu.memory_space<hbm>>
    tpu.enqueue_indirect_dma source(%dma_start3A_65 : memref<64x768xf32, #tpu.memory_space<vmem>>) target(%dma_start3A_68 : memref<4096x768xf32, #tpu.memory_space<hbm>>) offsets(%arg6 : memref<64xi32, #tpu.memory_space<vmem>>) semaphore(%arg10 : memref<!tpu.dma_semaphore, #tpu.memory_space<semaphore_mem>>)
    %dma_wait3A_69 = arith.constant 0 : i32
    %dma_wait3A_70 = arith.constant 0 : i32
    %dma_wait3A_71 = tpu.memref_slice %arg7[%dma_wait3A_69, %dma_wait3A_70] : memref<128x768xf32, #tpu.memory_space<vmem>> -> memref<64x768xf32, #tpu.memory_space<vmem>>
    %dma_wait3A_72 = arith.constant 0 : i32
    %dma_wait3A_73 = arith.constant 0 : i32
    %dma_wait3A_74 = tpu.memref_slice %arg4[%dma_wait3A_72, %dma_wait3A_73] : memref<4096x768xf32, #tpu.memory_space<hbm>> -> memref<4096x768xf32, #tpu.memory_space<hbm>>
    tpu.wait_indirect_dma semaphore(%arg10 : memref<!tpu.dma_semaphore, #tpu.memory_space<semaphore_mem>>) src(%dma_wait3A_71 : memref<64x768xf32, #tpu.memory_space<vmem>>) dst(%dma_wait3A_74 : memref<4096x768xf32, #tpu.memory_space<hbm>>)
    %dma_wait3A_75 = arith.constant 64 : i32
    %dma_wait3A_76 = arith.constant 0 : i32
    %dma_wait3A_77 = tpu.memref_slice %arg7[%dma_wait3A_75, %dma_wait3A_76] : memref<128x768xf32, #tpu.memory_space<vmem>> -> memref<64x768xf32, #tpu.memory_space<vmem>>
    %dma_wait3A_78 = arith.constant 0 : i32
    %dma_wait3A_79 = arith.constant 0 : i32
    %dma_wait3A_80 = tpu.memref_slice %arg4[%dma_wait3A_78, %dma_wait3A_79] : memref<4096x768xf32, #tpu.memory_space<hbm>> -> memref<4096x768xf32, #tpu.memory_space<hbm>>
    tpu.wait_indirect_dma semaphore(%arg10 : memref<!tpu.dma_semaphore, #tpu.memory_space<semaphore_mem>>) src(%dma_wait3A_77 : memref<64x768xf32, #tpu.memory_space<vmem>>) dst(%dma_wait3A_80 : memref<4096x768xf32, #tpu.memory_space<hbm>>)
    return
  }
}

module attributes {stable_mosaic.version = 14 : i64} {
  func.func @_group_gemm_kernel(%arg0: i32, %arg1: memref<128xi32, #tpu.memory_space<smem>>, %arg2: memref<512x768xf32, #tpu.memory_space<vmem>>, %arg3: memref<8x768x512xf32, #tpu.memory_space<vmem>>, %arg4: memref<8x512xf32, #tpu.memory_space<vmem>>, %arg5: memref<512x768xf32, #tpu.memory_space<vmem>>, %arg6: memref<1x768xf32, #tpu.memory_space<vmem>>, %arg7: memref<512x768xf32, #tpu.memory_space<vmem>>, %arg8: memref<512x512xf32, #tpu.memory_space<vmem>>, %arg9: memref<9xi32, #tpu.memory_space<smem>>) attributes {dimension_semantics = [#tpu.dimension_semantics<arbitrary>], iteration_bounds = array<i64: 8>, scalar_prefetch = 0 : i64, scratch_operands = 2 : i64, tpu.core_type = #tpu.core_type<tc>, window_params = [{transform_indices = @transform_0, window_bounds = array<i64: 128>}, {transform_indices = @transform_1, window_bounds = array<i64: 512, 768>}, {pipeline_mode = #tpu.pipeline_mode<synchronous>, transform_indices = @transform_2, window_bounds = array<i64: 8, 768, 512>}, {pipeline_mode = #tpu.pipeline_mode<synchronous>, transform_indices = @transform_3, window_bounds = array<i64: 8, 512>}, {pipeline_mode = #tpu.pipeline_mode<synchronous>, transform_indices = @transform_4, window_bounds = array<i64: 512, 768>}, {pipeline_mode = #tpu.pipeline_mode<synchronous>, transform_indices = @transform_5, window_bounds = array<i64: 1, 768>}, {transform_indices = @transform_6, window_bounds = array<i64: 512, 768>}]} {
    %mul3A = arith.constant 512 : i32
    %mul3A_0 = arith.muli %arg0, %mul3A : i32
    %swap3A = arith.constant 0 : i32
    %swap3A_1 = arith.constant 0 : index
    %swap3A_2 = memref.load %arg9[%swap3A_1] : memref<9xi32, #tpu.memory_space<smem>>
    memref.store %swap3A, %arg9[%swap3A_1] : memref<9xi32, #tpu.memory_space<smem>>
    %get3A = arith.constant 0 : index
    %get3A_3 = memref.load %arg1[%get3A] : memref<128xi32, #tpu.memory_space<smem>>
    %add3A = arith.constant 0 : i32
    %add3A_4 = arith.addi %add3A, %get3A_3 : i32
    %le3A = arith.cmpi sle, %add3A_4, %mul3A_0 : i32
    %jit3A = arith.constant 1 : i32
    %jit3A_5 = arith.constant 0 : i32
    %select_n3A = arith.select %le3A, %jit3A, %jit3A_5 : i32
    %add3A_6 = arith.constant 0 : i32
    %add3A_7 = arith.addi %add3A_6, %select_n3A : i32
    %add3A_8 = arith.constant 512 : i32
    %add3A_9 = arith.addi %mul3A_0, %add3A_8 : i32
    %lt3A = arith.constant 0 : i32
    %lt3A_10 = arith.cmpi slt, %lt3A, %add3A_9 : i32
    %jit3A_11 = arith.constant 1 : i32
    %jit3A_12 = arith.constant 0 : i32
    %select_n3A_13 = arith.select %lt3A_10, %jit3A_11, %jit3A_12 : i32
    %add3A_14 = arith.constant 0 : i32
    %add3A_15 = arith.addi %add3A_14, %select_n3A_13 : i32
    %get3A_16 = arith.constant 0 : index
    %get3A_17 = memref.load %arg1[%get3A_16] : memref<128xi32, #tpu.memory_space<smem>>
    %add3A_18 = arith.constant 0 : i32
    %add3A_19 = arith.addi %add3A_18, %get3A_17 : i32
    %swap3A_20 = arith.constant 1 : index
    %swap3A_21 = memref.load %arg9[%swap3A_20] : memref<9xi32, #tpu.memory_space<smem>>
    memref.store %add3A_19, %arg9[%swap3A_20] : memref<9xi32, #tpu.memory_space<smem>>
    %get3A_22 = arith.constant 1 : index
    %get3A_23 = memref.load %arg1[%get3A_22] : memref<128xi32, #tpu.memory_space<smem>>
    %add3A_24 = arith.addi %add3A_19, %get3A_23 : i32
    %le3A_25 = arith.cmpi sle, %add3A_24, %mul3A_0 : i32
    %jit3A_26 = arith.constant 1 : i32
    %jit3A_27 = arith.constant 0 : i32
    %select_n3A_28 = arith.select %le3A_25, %jit3A_26, %jit3A_27 : i32
    %add3A_29 = arith.addi %add3A_7, %select_n3A_28 : i32
    %add3A_30 = arith.constant 512 : i32
    %add3A_31 = arith.addi %mul3A_0, %add3A_30 : i32
    %lt3A_32 = arith.cmpi slt, %add3A_19, %add3A_31 : i32
    %jit3A_33 = arith.constant 1 : i32
    %jit3A_34 = arith.constant 0 : i32
    %select_n3A_35 = arith.select %lt3A_32, %jit3A_33, %jit3A_34 : i32
    %add3A_36 = arith.addi %add3A_15, %select_n3A_35 : i32
    %get3A_37 = arith.constant 1 : index
    %get3A_38 = memref.load %arg1[%get3A_37] : memref<128xi32, #tpu.memory_space<smem>>
    %add3A_39 = arith.addi %add3A_19, %get3A_38 : i32
    %swap3A_40 = arith.constant 2 : index
    %swap3A_41 = memref.load %arg9[%swap3A_40] : memref<9xi32, #tpu.memory_space<smem>>
    memref.store %add3A_39, %arg9[%swap3A_40] : memref<9xi32, #tpu.memory_space<smem>>
    %get3A_42 = arith.constant 2 : index
    %get3A_43 = memref.load %arg1[%get3A_42] : memref<128xi32, #tpu.memory_space<smem>>
    %add3A_44 = arith.addi %add3A_39, %get3A_43 : i32
    %le3A_45 = arith.cmpi sle, %add3A_44, %mul3A_0 : i32
    %jit3A_46 = arith.constant 1 : i32
    %jit3A_47 = arith.constant 0 : i32
    %select_n3A_48 = arith.select %le3A_45, %jit3A_46, %jit3A_47 : i32
    %add3A_49 = arith.addi %add3A_29, %select_n3A_48 : i32
    %add3A_50 = arith.constant 512 : i32
    %add3A_51 = arith.addi %mul3A_0, %add3A_50 : i32
    %lt3A_52 = arith.cmpi slt, %add3A_39, %add3A_51 : i32
    %jit3A_53 = arith.constant 1 : i32
    %jit3A_54 = arith.constant 0 : i32
    %select_n3A_55 = arith.select %lt3A_52, %jit3A_53, %jit3A_54 : i32
    %add3A_56 = arith.addi %add3A_36, %select_n3A_55 : i32
    %get3A_57 = arith.constant 2 : index
    %get3A_58 = memref.load %arg1[%get3A_57] : memref<128xi32, #tpu.memory_space<smem>>
    %add3A_59 = arith.addi %add3A_39, %get3A_58 : i32
    %swap3A_60 = arith.constant 3 : index
    %swap3A_61 = memref.load %arg9[%swap3A_60] : memref<9xi32, #tpu.memory_space<smem>>
    memref.store %add3A_59, %arg9[%swap3A_60] : memref<9xi32, #tpu.memory_space<smem>>
    %get3A_62 = arith.constant 3 : index
    %get3A_63 = memref.load %arg1[%get3A_62] : memref<128xi32, #tpu.memory_space<smem>>
    %add3A_64 = arith.addi %add3A_59, %get3A_63 : i32
    %le3A_65 = arith.cmpi sle, %add3A_64, %mul3A_0 : i32
    %jit3A_66 = arith.constant 1 : i32
    %jit3A_67 = arith.constant 0 : i32
    %select_n3A_68 = arith.select %le3A_65, %jit3A_66, %jit3A_67 : i32
    %add3A_69 = arith.addi %add3A_49, %select_n3A_68 : i32
    %add3A_70 = arith.constant 512 : i32
    %add3A_71 = arith.addi %mul3A_0, %add3A_70 : i32
    %lt3A_72 = arith.cmpi slt, %add3A_59, %add3A_71 : i32
    %jit3A_73 = arith.constant 1 : i32
    %jit3A_74 = arith.constant 0 : i32
    %select_n3A_75 = arith.select %lt3A_72, %jit3A_73, %jit3A_74 : i32
    %add3A_76 = arith.addi %add3A_56, %select_n3A_75 : i32
    %get3A_77 = arith.constant 3 : index
    %get3A_78 = memref.load %arg1[%get3A_77] : memref<128xi32, #tpu.memory_space<smem>>
    %add3A_79 = arith.addi %add3A_59, %get3A_78 : i32
    %swap3A_80 = arith.constant 4 : index
    %swap3A_81 = memref.load %arg9[%swap3A_80] : memref<9xi32, #tpu.memory_space<smem>>
    memref.store %add3A_79, %arg9[%swap3A_80] : memref<9xi32, #tpu.memory_space<smem>>
    %get3A_82 = arith.constant 4 : index
    %get3A_83 = memref.load %arg1[%get3A_82] : memref<128xi32, #tpu.memory_space<smem>>
    %add3A_84 = arith.addi %add3A_79, %get3A_83 : i32
    %le3A_85 = arith.cmpi sle, %add3A_84, %mul3A_0 : i32
    %jit3A_86 = arith.constant 1 : i32
    %jit3A_87 = arith.constant 0 : i32
    %select_n3A_88 = arith.select %le3A_85, %jit3A_86, %jit3A_87 : i32
    %add3A_89 = arith.addi %add3A_69, %select_n3A_88 : i32
    %add3A_90 = arith.constant 512 : i32
    %add3A_91 = arith.addi %mul3A_0, %add3A_90 : i32
    %lt3A_92 = arith.cmpi slt, %add3A_79, %add3A_91 : i32
    %jit3A_93 = arith.constant 1 : i32
    %jit3A_94 = arith.constant 0 : i32
    %select_n3A_95 = arith.select %lt3A_92, %jit3A_93, %jit3A_94 : i32
    %add3A_96 = arith.addi %add3A_76, %select_n3A_95 : i32
    %get3A_97 = arith.constant 4 : index
    %get3A_98 = memref.load %arg1[%get3A_97] : memref<128xi32, #tpu.memory_space<smem>>
    %add3A_99 = arith.addi %add3A_79, %get3A_98 : i32
    %swap3A_100 = arith.constant 5 : index
    %swap3A_101 = memref.load %arg9[%swap3A_100] : memref<9xi32, #tpu.memory_space<smem>>
    memref.store %add3A_99, %arg9[%swap3A_100] : memref<9xi32, #tpu.memory_space<smem>>
    %get3A_102 = arith.constant 5 : index
    %get3A_103 = memref.load %arg1[%get3A_102] : memref<128xi32, #tpu.memory_space<smem>>
    %add3A_104 = arith.addi %add3A_99, %get3A_103 : i32
    %le3A_105 = arith.cmpi sle, %add3A_104, %mul3A_0 : i32
    %jit3A_106 = arith.constant 1 : i32
    %jit3A_107 = arith.constant 0 : i32
    %select_n3A_108 = arith.select %le3A_105, %jit3A_106, %jit3A_107 : i32
    %add3A_109 = arith.addi %add3A_89, %select_n3A_108 : i32
    %add3A_110 = arith.constant 512 : i32
    %add3A_111 = arith.addi %mul3A_0, %add3A_110 : i32
    %lt3A_112 = arith.cmpi slt, %add3A_99, %add3A_111 : i32
    %jit3A_113 = arith.constant 1 : i32
    %jit3A_114 = arith.constant 0 : i32
    %select_n3A_115 = arith.select %lt3A_112, %jit3A_113, %jit3A_114 : i32
    %add3A_116 = arith.addi %add3A_96, %select_n3A_115 : i32
    %get3A_117 = arith.constant 5 : index
    %get3A_118 = memref.load %arg1[%get3A_117] : memref<128xi32, #tpu.memory_space<smem>>
    %add3A_119 = arith.addi %add3A_99, %get3A_118 : i32
    %swap3A_120 = arith.constant 6 : index
    %swap3A_121 = memref.load %arg9[%swap3A_120] : memref<9xi32, #tpu.memory_space<smem>>
    memref.store %add3A_119, %arg9[%swap3A_120] : memref<9xi32, #tpu.memory_space<smem>>
    %get3A_122 = arith.constant 6 : index
    %get3A_123 = memref.load %arg1[%get3A_122] : memref<128xi32, #tpu.memory_space<smem>>
    %add3A_124 = arith.addi %add3A_119, %get3A_123 : i32
    %le3A_125 = arith.cmpi sle, %add3A_124, %mul3A_0 : i32
    %jit3A_126 = arith.constant 1 : i32
    %jit3A_127 = arith.constant 0 : i32
    %select_n3A_128 = arith.select %le3A_125, %jit3A_126, %jit3A_127 : i32
    %add3A_129 = arith.addi %add3A_109, %select_n3A_128 : i32
    %add3A_130 = arith.constant 512 : i32
    %add3A_131 = arith.addi %mul3A_0, %add3A_130 : i32
    %lt3A_132 = arith.cmpi slt, %add3A_119, %add3A_131 : i32
    %jit3A_133 = arith.constant 1 : i32
    %jit3A_134 = arith.constant 0 : i32
    %select_n3A_135 = arith.select %lt3A_132, %jit3A_133, %jit3A_134 : i32
    %add3A_136 = arith.addi %add3A_116, %select_n3A_135 : i32
    %get3A_137 = arith.constant 6 : index
    %get3A_138 = memref.load %arg1[%get3A_137] : memref<128xi32, #tpu.memory_space<smem>>
    %add3A_139 = arith.addi %add3A_119, %get3A_138 : i32
    %swap3A_140 = arith.constant 7 : index
    %swap3A_141 = memref.load %arg9[%swap3A_140] : memref<9xi32, #tpu.memory_space<smem>>
    memref.store %add3A_139, %arg9[%swap3A_140] : memref<9xi32, #tpu.memory_space<smem>>
    %get3A_142 = arith.constant 7 : index
    %get3A_143 = memref.load %arg1[%get3A_142] : memref<128xi32, #tpu.memory_space<smem>>
    %add3A_144 = arith.addi %add3A_139, %get3A_143 : i32
    %le3A_145 = arith.cmpi sle, %add3A_144, %mul3A_0 : i32
    %jit3A_146 = arith.constant 1 : i32
    %jit3A_147 = arith.constant 0 : i32
    %select_n3A_148 = arith.select %le3A_145, %jit3A_146, %jit3A_147 : i32
    %add3A_149 = arith.addi %add3A_129, %select_n3A_148 : i32
    %add3A_150 = arith.constant 512 : i32
    %add3A_151 = arith.addi %mul3A_0, %add3A_150 : i32
    %lt3A_152 = arith.cmpi slt, %add3A_139, %add3A_151 : i32
    %jit3A_153 = arith.constant 1 : i32
    %jit3A_154 = arith.constant 0 : i32
    %select_n3A_155 = arith.select %lt3A_152, %jit3A_153, %jit3A_154 : i32
    %add3A_156 = arith.addi %add3A_136, %select_n3A_155 : i32
    %get3A_157 = arith.constant 7 : index
    %get3A_158 = memref.load %arg1[%get3A_157] : memref<128xi32, #tpu.memory_space<smem>>
    %add3A_159 = arith.addi %add3A_139, %get3A_158 : i32
    %swap3A_160 = arith.constant 8 : index
    %swap3A_161 = memref.load %arg9[%swap3A_160] : memref<9xi32, #tpu.memory_space<smem>>
    memref.store %add3A_159, %arg9[%swap3A_160] : memref<9xi32, #tpu.memory_space<smem>>
    %iota3A = tpu.iota {dimensions = array<i32: 0>} : vector<512x1xi32>
    %add3A_162 = vector.broadcast %mul3A_0 : i32 to vector<512x1xi32>
    %add3A_163 = arith.addi %iota3A, %add3A_162 : vector<512x1xi32>
    %while3A = arith.constant 0 : i32
    %while3A_164 = arith.subi %add3A_156, %add3A_149 : i32
    %while3A_165 = arith.addi %add3A_149, %while3A_164 : i32
    %while3A_166 = arith.constant 1 : i32
    %while3A_167 = arith.divsi %while3A_164, %while3A_166 : i32
    %while3A_168 = arith.muli %while3A_167, %while3A_166 : i32
    %while3A_169 = arith.addi %add3A_149, %while3A_168 : i32
    %while3A_170 = arith.constant 1 : i32
    %while3A_171 = scf.for %while3A_189 = %add3A_149 to %while3A_169 step %while3A_170 iter_args(%while3A_190 = %while3A) -> (i32)  : i32 {
      %get3A_191 = arith.constant 0 : index
      %get3A_192 = arith.constant 0 : index
      %get3A_193 = vector.load %arg2[%get3A_191, %get3A_192] : memref<512x768xf32, #tpu.memory_space<vmem>>, vector<512x768xf32>
      %get3A_194 = arith.index_cast %while3A_189 : i32 to index
      %get3A_195 = arith.constant 0 : index
      %get3A_196 = arith.constant 0 : index
      %get3A_197 = vector.load %arg3[%get3A_194, %get3A_195, %get3A_196] : memref<8x768x512xf32, #tpu.memory_space<vmem>>, vector<1x768x512xf32>
      %get3A_198 = vector.shape_cast %get3A_197 : vector<1x768x512xf32> to vector<768x512xf32>
      %dot_general3A_199 = arith.constant dense<0.000000e+00> : vector<512x512xf32>
      %dot_general3A_200 = tpu.matmul %get3A_193, %get3A_198, %dot_general3A_199 {dimension_numbers = #tpu.dot_dimension_numbers<[1], [0], [0], [1], [0, 0, 1, 1], [], []>, transpose_lhs_hint = false} : vector<512x768xf32>, vector<768x512xf32>, vector<512x512xf32> -> vector<512x512xf32>
      %get3A_201 = arith.index_cast %while3A_189 : i32 to index
      %get3A_202 = arith.constant 0 : index
      %get3A_203 = vector.load %arg4[%get3A_201, %get3A_202] : memref<8x512xf32, #tpu.memory_space<vmem>>, vector<1x512xf32>
      %get3A_204 = vector.shape_cast %get3A_203 : vector<1x512xf32> to vector<512xf32>
      %broadcast_in_dim3A = vector.shape_cast %get3A_204 : vector<512xf32> to vector<1x512xf32>
      %add3A_205 = vector.broadcast %broadcast_in_dim3A : vector<1x512xf32> to vector<512x512xf32>
      %add3A_206 = arith.addf %dot_general3A_200, %add3A_205 : vector<512x512xf32>
      %max3A = arith.constant 0.000000e+00 : f32
      %max3A_207 = vector.broadcast %max3A : f32 to vector<512x512xf32>
      %max3A_208 = arith.maximumf %add3A_206, %max3A_207 : vector<512x512xf32>
      %get3A_209 = arith.index_cast %while3A_189 : i32 to index
      %get3A_210 = memref.load %arg9[%get3A_209] : memref<9xi32, #tpu.memory_space<smem>>
      %ge3A = vector.broadcast %get3A_210 : i32 to vector<512x1xi32>
      %ge3A_211 = arith.cmpi sge, %add3A_163, %ge3A : vector<512x1xi32>
      %add3A_212 = arith.constant 1 : i32
      %add3A_213 = arith.addi %while3A_189, %add3A_212 : i32
      %get3A_214 = arith.index_cast %add3A_213 : i32 to index
      %get3A_215 = memref.load %arg9[%get3A_214] : memref<9xi32, #tpu.memory_space<smem>>
      %lt3A_216 = vector.broadcast %get3A_215 : i32 to vector<512x1xi32>
      %lt3A_217 = arith.cmpi slt, %add3A_163, %lt3A_216 : vector<512x1xi32>
      %and3A = arith.andi %ge3A_211, %lt3A_217 : vector<512x1xi1>
      %get3A_218 = arith.constant 0 : index
      %get3A_219 = arith.constant 0 : index
      %get3A_220 = vector.load %arg8[%get3A_218, %get3A_219] : memref<512x512xf32, #tpu.memory_space<vmem>>, vector<512x512xf32>
      %broadcast_in_dim3A_221 = vector.shape_cast %and3A : vector<512x1xi1> to vector<512x1xi1>
      %broadcast_in_dim3A_222 = vector.broadcast %broadcast_in_dim3A_221 : vector<512x1xi1> to vector<512x512xi1>
      %select_n3A_223 = arith.select %broadcast_in_dim3A_222, %max3A_208, %get3A_220 : vector<512x512xi1>, vector<512x512xf32>
      %swap3A_224 = arith.constant 0 : index
      %swap3A_225 = arith.constant 0 : index
      %swap3A_226 = vector.load %arg8[%swap3A_224, %swap3A_225] : memref<512x512xf32, #tpu.memory_space<vmem>>, vector<512x512xf32>
      tpu.vector_store %arg8[%swap3A_224, %swap3A_225], %select_n3A_223 {strides = array<i32>} : memref<512x512xf32, #tpu.memory_space<vmem>>, vector<512x512xf32>,
      %while3A_227 = arith.constant 0 : i32
      scf.yield %while3A_227 : i32
    }
    %while3A_172 = arith.constant 1 : i32
    %while3A_173 = scf.for %while3A_189 = %while3A_169 to %while3A_165 step %while3A_172 iter_args(%while3A_190 = %while3A_171) -> (i32)  : i32 {
      %get3A_191 = arith.constant 0 : index
      %get3A_192 = arith.constant 0 : index
      %get3A_193 = vector.load %arg2[%get3A_191, %get3A_192] : memref<512x768xf32, #tpu.memory_space<vmem>>, vector<512x768xf32>
      %get3A_194 = arith.index_cast %while3A_189 : i32 to index
      %get3A_195 = arith.constant 0 : index
      %get3A_196 = arith.constant 0 : index
      %get3A_197 = vector.load %arg3[%get3A_194, %get3A_195, %get3A_196] : memref<8x768x512xf32, #tpu.memory_space<vmem>>, vector<1x768x512xf32>
      %get3A_198 = vector.shape_cast %get3A_197 : vector<1x768x512xf32> to vector<768x512xf32>
      %dot_general3A_199 = arith.constant dense<0.000000e+00> : vector<512x512xf32>
      %dot_general3A_200 = tpu.matmul %get3A_193, %get3A_198, %dot_general3A_199 {dimension_numbers = #tpu.dot_dimension_numbers<[1], [0], [0], [1], [0, 0, 1, 1], [], []>, transpose_lhs_hint = false} : vector<512x768xf32>, vector<768x512xf32>, vector<512x512xf32> -> vector<512x512xf32>
      %get3A_201 = arith.index_cast %while3A_189 : i32 to index
      %get3A_202 = arith.constant 0 : index
      %get3A_203 = vector.load %arg4[%get3A_201, %get3A_202] : memref<8x512xf32, #tpu.memory_space<vmem>>, vector<1x512xf32>
      %get3A_204 = vector.shape_cast %get3A_203 : vector<1x512xf32> to vector<512xf32>
      %broadcast_in_dim3A = vector.shape_cast %get3A_204 : vector<512xf32> to vector<1x512xf32>
      %add3A_205 = vector.broadcast %broadcast_in_dim3A : vector<1x512xf32> to vector<512x512xf32>
      %add3A_206 = arith.addf %dot_general3A_200, %add3A_205 : vector<512x512xf32>
      %max3A = arith.constant 0.000000e+00 : f32
      %max3A_207 = vector.broadcast %max3A : f32 to vector<512x512xf32>
      %max3A_208 = arith.maximumf %add3A_206, %max3A_207 : vector<512x512xf32>
      %get3A_209 = arith.index_cast %while3A_189 : i32 to index
      %get3A_210 = memref.load %arg9[%get3A_209] : memref<9xi32, #tpu.memory_space<smem>>
      %ge3A = vector.broadcast %get3A_210 : i32 to vector<512x1xi32>
      %ge3A_211 = arith.cmpi sge, %add3A_163, %ge3A : vector<512x1xi32>
      %add3A_212 = arith.constant 1 : i32
      %add3A_213 = arith.addi %while3A_189, %add3A_212 : i32
      %get3A_214 = arith.index_cast %add3A_213 : i32 to index
      %get3A_215 = memref.load %arg9[%get3A_214] : memref<9xi32, #tpu.memory_space<smem>>
      %lt3A_216 = vector.broadcast %get3A_215 : i32 to vector<512x1xi32>
      %lt3A_217 = arith.cmpi slt, %add3A_163, %lt3A_216 : vector<512x1xi32>
      %and3A = arith.andi %ge3A_211, %lt3A_217 : vector<512x1xi1>
      %get3A_218 = arith.constant 0 : index
      %get3A_219 = arith.constant 0 : index
      %get3A_220 = vector.load %arg8[%get3A_218, %get3A_219] : memref<512x512xf32, #tpu.memory_space<vmem>>, vector<512x512xf32>
      %broadcast_in_dim3A_221 = vector.shape_cast %and3A : vector<512x1xi1> to vector<512x1xi1>
      %broadcast_in_dim3A_222 = vector.broadcast %broadcast_in_dim3A_221 : vector<512x1xi1> to vector<512x512xi1>
      %select_n3A_223 = arith.select %broadcast_in_dim3A_222, %max3A_208, %get3A_220 : vector<512x512xi1>, vector<512x512xf32>
      %swap3A_224 = arith.constant 0 : index
      %swap3A_225 = arith.constant 0 : index
      %swap3A_226 = vector.load %arg8[%swap3A_224, %swap3A_225] : memref<512x512xf32, #tpu.memory_space<vmem>>, vector<512x512xf32>
      tpu.vector_store %arg8[%swap3A_224, %swap3A_225], %select_n3A_223 {strides = array<i32>} : memref<512x512xf32, #tpu.memory_space<vmem>>, vector<512x512xf32>,
      %while3A_227 = arith.constant 0 : i32
      scf.yield %while3A_227 : i32
    }
    %get3A_174 = arith.constant 0 : index
    %get3A_175 = arith.constant 0 : index
    %get3A_176 = vector.load %arg8[%get3A_174, %get3A_175] : memref<512x512xf32, #tpu.memory_space<vmem>>, vector<512x512xf32>
    %get3A_177 = arith.constant 0 : index
    %get3A_178 = arith.constant 0 : index
    %get3A_179 = vector.load %arg5[%get3A_177, %get3A_178] : memref<512x768xf32, #tpu.memory_space<vmem>>, vector<512x768xf32>
    %dot_general3A = arith.constant dense<0.000000e+00> : vector<512x768xf32>
    %dot_general3A_180 = tpu.matmul %get3A_176, %get3A_179, %dot_general3A {dimension_numbers = #tpu.dot_dimension_numbers<[1], [0], [0], [1], [0, 0, 1, 1], [], []>, transpose_lhs_hint = false} : vector<512x512xf32>, vector<512x768xf32>, vector<512x768xf32> -> vector<512x768xf32>
    %get3A_181 = arith.constant 0 : index
    %get3A_182 = arith.constant 0 : index
    %get3A_183 = vector.load %arg6[%get3A_181, %get3A_182] : memref<1x768xf32, #tpu.memory_space<vmem>>, vector<1x768xf32>
    %add3A_184 = vector.broadcast %get3A_183 : vector<1x768xf32> to vector<512x768xf32>
    %add3A_185 = arith.addf %dot_general3A_180, %add3A_184 : vector<512x768xf32>
    %swap3A_186 = arith.constant 0 : index
    %swap3A_187 = arith.constant 0 : index
    %swap3A_188 = vector.load %arg7[%swap3A_186, %swap3A_187] : memref<512x768xf32, #tpu.memory_space<vmem>>, vector<512x768xf32>
    tpu.vector_store %arg7[%swap3A_186, %swap3A_187], %add3A_185 {strides = array<i32>} : memref<512x768xf32, #tpu.memory_space<vmem>>, vector<512x768xf32>,
    return
  }
  func.func @transform_0(%arg0: i32) -> i32 {
    %c0_i32 = arith.constant 0 : i32
    %c0_i32_0 = arith.constant 0 : i32
    return %c0_i32 : i32
  }
  func.func @transform_1(%arg0: i32) -> (i32, i32) {
    %c0_i32 = arith.constant 0 : i32
    %c0_i32_0 = arith.constant 0 : i32
    return %arg0, %c0_i32 : i32, i32
  }
  func.func @transform_2(%arg0: i32) -> (i32, i32, i32) {
    %c0_i32 = arith.constant 0 : i32
    %c0_i32_0 = arith.constant 0 : i32
    %c0_i32_1 = arith.constant 0 : i32
    %c0_i32_2 = arith.constant 0 : i32
    return %c0_i32, %c0_i32_0, %c0_i32_1 : i32, i32, i32
  }
  func.func @transform_3(%arg0: i32) -> (i32, i32) {
    %c0_i32 = arith.constant 0 : i32
    %c0_i32_0 = arith.constant 0 : i32
    %c0_i32_1 = arith.constant 0 : i32
    return %c0_i32, %c0_i32_0 : i32, i32
  }
  func.func @transform_4(%arg0: i32) -> (i32, i32) {
    %c0_i32 = arith.constant 0 : i32
    %c0_i32_0 = arith.constant 0 : i32
    %c0_i32_1 = arith.constant 0 : i32
    return %c0_i32, %c0_i32_0 : i32, i32
  }
  func.func @transform_5(%arg0: i32) -> (i32, i32) {
    %c0_i32 = arith.constant 0 : i32
    %c0_i32_0 = arith.constant 0 : i32
    %c0_i32_1 = arith.constant 0 : i32
    return %c0_i32, %c0_i32_0 : i32, i32
  }
  func.func @transform_6(%arg0: i32) -> (i32, i32) {
    %c0_i32 = arith.constant 0 : i32
    %c0_i32_0 = arith.constant 0 : i32
    return %arg0, %c0_i32 : i32, i32
  }
}

module attributes {stable_mosaic.version = 14 : i64} {
  func.func @_router_rank_kernel(%arg0: i32, %arg1: memref<512x768xf32, #tpu.memory_space<vmem>>, %arg2: memref<768x8xf32, #tpu.memory_space<vmem>>, %arg3: memref<1x8xf32, #tpu.memory_space<vmem>>, %arg4: memref<32x128xi32, #tpu.memory_space<vmem>>, %arg5: memref<1x128xi32, #tpu.memory_space<vmem>>, %arg6: memref<1x128xf32, #tpu.memory_space<vmem>>, %arg7: memref<32x128xi32, #tpu.memory_space<vmem>>, %arg8: memref<32x128xi32, #tpu.memory_space<vmem>>) attributes {dimension_semantics = [#tpu.dimension_semantics<arbitrary>], iteration_bounds = array<i64: 8>, scalar_prefetch = 0 : i64, scratch_operands = 3 : i64, tpu.core_type = #tpu.core_type<tc>, window_params = [{transform_indices = @transform_0, window_bounds = array<i64: 512, 768>}, {pipeline_mode = #tpu.pipeline_mode<synchronous>, transform_indices = @transform_1, window_bounds = array<i64: 768, 8>}, {pipeline_mode = #tpu.pipeline_mode<synchronous>, transform_indices = @transform_2, window_bounds = array<i64: 1, 8>}, {pipeline_mode = #tpu.pipeline_mode<synchronous>, transform_indices = @transform_3, window_bounds = array<i64: 32, 128>}, {pipeline_mode = #tpu.pipeline_mode<synchronous>, transform_indices = @transform_4, window_bounds = array<i64: 1, 128>}]} {
    %eq3A = arith.constant 0 : i32
    %eq3A_0 = arith.cmpi eq, %arg0, %eq3A : i32
    %convert_element_type3A = arith.extui %eq3A_0 : i1 to i32
    %cond3A = arith.constant 0 : i32
    %cond3A_1 = arith.cmpi ne, %convert_element_type3A, %cond3A : i32
    scf.if %cond3A_1 {
      %broadcast_in_dim3A_72 = arith.constant 0.000000e+00 : f32
      %broadcast_in_dim3A_73 = vector.broadcast %broadcast_in_dim3A_72 : f32 to vector<1x128xf32>
      %swap3A_74 = arith.constant 0 : index
      %swap3A_75 = arith.constant 0 : index
      %swap3A_76 = vector.load %arg6[%swap3A_74, %swap3A_75] : memref<1x128xf32, #tpu.memory_space<vmem>>, vector<1x128xf32>
      tpu.vector_store %arg6[%swap3A_74, %swap3A_75], %broadcast_in_dim3A_73 {strides = array<i32>} : memref<1x128xf32, #tpu.memory_space<vmem>>, vector<1x128xf32>,
    } else {
    }
    %get3A = arith.constant 0 : index
    %get3A_2 = arith.constant 0 : index
    %get3A_3 = vector.load %arg1[%get3A, %get3A_2] : memref<512x768xf32, #tpu.memory_space<vmem>>, vector<512x768xf32>
    %get3A_4 = arith.constant 0 : index
    %get3A_5 = arith.constant 0 : index
    %get3A_6 = vector.load %arg2[%get3A_4, %get3A_5] : memref<768x8xf32, #tpu.memory_space<vmem>>, vector<768x8xf32>
    %dot_general3A = arith.constant dense<0.000000e+00> : vector<512x8xf32>
    %dot_general3A_7 = tpu.matmul %get3A_3, %get3A_6, %dot_general3A {dimension_numbers = #tpu.dot_dimension_numbers<[1], [0], [0], [1], [0, 0, 1, 1], [], []>, transpose_lhs_hint = false} : vector<512x768xf32>, vector<768x8xf32>, vector<512x8xf32> -> vector<512x8xf32>
    %get3A_8 = arith.constant 0 : index
    %get3A_9 = arith.constant 0 : index
    %get3A_10 = vector.load %arg3[%get3A_8, %get3A_9] : memref<1x8xf32, #tpu.memory_space<vmem>>, vector<1x8xf32>
    %add3A = vector.broadcast %get3A_10 : vector<1x8xf32> to vector<512x8xf32>
    %add3A_11 = arith.addf %dot_general3A_7, %add3A : vector<512x8xf32>
    %broadcast_in_dim3A = arith.constant -1.000000e+30 : f32
    %broadcast_in_dim3A_12 = vector.broadcast %broadcast_in_dim3A : f32 to vector<512x120xf32>
    %concatenate3A = tpu.concatenate %add3A_11, %broadcast_in_dim3A_12 in 1 : vector<512x8xf32>, vector<512x120xf32> -> vector<512x128xf32>
    %reduce_max3A = arith.constant dense<0xFF800000> : vector<512xf32>
    %reduce_max3A_13 = vector.multi_reduction <maximumf>, %concatenate3A, %reduce_max3A [1] : vector<512x128xf32> to vector<512xf32>
    %broadcast_in_dim3A_14 = vector.shape_cast %reduce_max3A_13 : vector<512xf32> to vector<512x1xf32>
    %iota3A = tpu.iota {dimensions = array<i32: 1>} : vector<512x128xi32>
    %eq3A_15 = vector.broadcast %broadcast_in_dim3A_14 : vector<512x1xf32> to vector<512x128xf32>
    %eq3A_16 = arith.cmpf oeq, %concatenate3A, %eq3A_15 : vector<512x128xf32>
    %jit3A = arith.constant 128 : i32
    %broadcast_in_dim3A_17 = vector.broadcast %jit3A : i32 to vector<512x128xi32>
    %select_n3A = arith.select %eq3A_16, %iota3A, %broadcast_in_dim3A_17 : vector<512x128xi1>, vector<512x128xi32>
    %reduce_min3A = arith.constant dense<2147483647> : vector<512xi32>
    %reduce_min3A_18 = vector.multi_reduction <minsi>, %select_n3A, %reduce_min3A [1] : vector<512x128xi32> to vector<512xi32>
    %broadcast_in_dim3A_19 = vector.shape_cast %reduce_min3A_18 : vector<512xi32> to vector<512x1xi32>
    %eq3A_20 = vector.broadcast %broadcast_in_dim3A_19 : vector<512x1xi32> to vector<512x128xi32>
    %eq3A_21 = arith.cmpi eq, %iota3A, %eq3A_20 : vector<512x128xi32>
    %convert_element_type3A_22 = arith.extui %eq3A_21 : vector<512x128xi1> to vector<512x128xi32>
    %convert_element_type3A_23 = arith.sitofp %convert_element_type3A_22 : vector<512x128xi32> to vector<512x128xf32>
    %iota3A_24 = tpu.iota {dimensions = array<i32: 0>} : vector<512x512xi32>
    %iota3A_25 = tpu.iota {dimensions = array<i32: 1>} : vector<512x512xi32>
    %ge3A = arith.cmpi sge, %iota3A_24, %iota3A_25 : vector<512x512xi32>
    %convert_element_type3A_26 = arith.extui %ge3A : vector<512x512xi1> to vector<512x512xi32>
    %convert_element_type3A_27 = arith.sitofp %convert_element_type3A_26 : vector<512x512xi32> to vector<512x512xf32>
    %dot_general3A_28 = arith.constant dense<0.000000e+00> : vector<512x128xf32>
    %dot_general3A_29 = tpu.matmul %convert_element_type3A_27, %convert_element_type3A_23, %dot_general3A_28 {dimension_numbers = #tpu.dot_dimension_numbers<[1], [0], [0], [1], [0, 0, 1, 1], [], []>, transpose_lhs_hint = false} : vector<512x512xf32>, vector<512x128xf32>, vector<512x128xf32> -> vector<512x128xf32>
    %get3A_30 = arith.constant 0 : index
    %get3A_31 = arith.constant 0 : index
    %get3A_32 = vector.load %arg6[%get3A_30, %get3A_31] : memref<1x128xf32, #tpu.memory_space<vmem>>, vector<1x128xf32>
    %add3A_33 = vector.broadcast %get3A_32 : vector<1x128xf32> to vector<512x128xf32>
    %add3A_34 = arith.addf %dot_general3A_29, %add3A_33 : vector<512x128xf32>
    %mul3A = arith.mulf %add3A_34, %convert_element_type3A_23 : vector<512x128xf32>
    %reduce_sum3A = arith.constant dense<0.000000e+00> : vector<512xf32>
    %reduce_sum3A_35 = vector.multi_reduction <add>, %mul3A, %reduce_sum3A [1] : vector<512x128xf32> to vector<512xf32>
    %broadcast_in_dim3A_36 = vector.shape_cast %reduce_sum3A_35 : vector<512xf32> to vector<512x1xf32>
    %sub3A = arith.constant 1.000000e+00 : f32
    %sub3A_37 = vector.broadcast %sub3A : f32 to vector<512x1xf32>
    %sub3A_38 = arith.subf %broadcast_in_dim3A_36, %sub3A_37 : vector<512x1xf32>
    %convert_element_type3A_39 = arith.fptosi %sub3A_38 : vector<512x1xf32> to vector<512x1xi32>
    %reshape3A = vector.shape_cast %convert_element_type3A_39 : vector<512x1xi32> to vector<4x128xi32>
    %mul3A_40 = arith.constant 4 : i32
    %mul3A_41 = arith.muli %arg0, %mul3A_40 : i32
    %swap3A = arith.index_cast %mul3A_41 : i32 to index
    %swap3A_42 = arith.constant 0 : index
    %swap3A_43 = vector.load %arg8[%swap3A, %swap3A_42] : memref<32x128xi32, #tpu.memory_space<vmem>>, vector<4x128xi32>
    tpu.vector_store %arg8[%swap3A, %swap3A_42], %reshape3A {strides = array<i32>} : memref<32x128xi32, #tpu.memory_space<vmem>>, vector<4x128xi32>,
    %reshape3A_44 = vector.shape_cast %broadcast_in_dim3A_19 : vector<512x1xi32> to vector<4x128xi32>
    %mul3A_45 = arith.constant 4 : i32
    %mul3A_46 = arith.muli %arg0, %mul3A_45 : i32
    %swap3A_47 = arith.index_cast %mul3A_46 : i32 to index
    %swap3A_48 = arith.constant 0 : index
    %swap3A_49 = vector.load %arg7[%swap3A_47, %swap3A_48] : memref<32x128xi32, #tpu.memory_space<vmem>>, vector<4x128xi32>
    tpu.vector_store %arg7[%swap3A_47, %swap3A_48], %reshape3A_44 {strides = array<i32>} : memref<32x128xi32, #tpu.memory_space<vmem>>, vector<4x128xi32>,
    %get3A_50 = arith.constant 0 : index
    %get3A_51 = arith.constant 0 : index
    %get3A_52 = vector.load %arg6[%get3A_50, %get3A_51] : memref<1x128xf32, #tpu.memory_space<vmem>>, vector<1x128xf32>
    %reduce_sum3A_53 = arith.constant dense<0.000000e+00> : vector<128xf32>
    %reduce_sum3A_54 = vector.multi_reduction <add>, %convert_element_type3A_23, %reduce_sum3A_53 [0] : vector<512x128xf32> to vector<128xf32>
    %broadcast_in_dim3A_55 = vector.shape_cast %reduce_sum3A_54 : vector<128xf32> to vector<1x128xf32>
    %add3A_56 = arith.addf %get3A_52, %broadcast_in_dim3A_55 : vector<1x128xf32>
    %swap3A_57 = arith.constant 0 : index
    %swap3A_58 = arith.constant 0 : index
    %swap3A_59 = vector.load %arg6[%swap3A_57, %swap3A_58] : memref<1x128xf32, #tpu.memory_space<vmem>>, vector<1x128xf32>
    tpu.vector_store %arg6[%swap3A_57, %swap3A_58], %add3A_56 {strides = array<i32>} : memref<1x128xf32, #tpu.memory_space<vmem>>, vector<1x128xf32>,
    %eq3A_60 = arith.constant 7 : i32
    %eq3A_61 = arith.cmpi eq, %arg0, %eq3A_60 : i32
    %convert_element_type3A_62 = arith.extui %eq3A_61 : i1 to i32
    %cond3A_63 = arith.constant 0 : i32
    %cond3A_64 = arith.cmpi ne, %convert_element_type3A_62, %cond3A_63 : i32
    scf.if %cond3A_64 {
      %get3A_72 = arith.constant 0 : index
      %get3A_73 = arith.constant 0 : index
      %get3A_74 = vector.load %arg6[%get3A_72, %get3A_73] : memref<1x128xf32, #tpu.memory_space<vmem>>, vector<1x128xf32>
      %broadcast_in_dim3A_75 = arith.constant 0.000000e+00 : f32
      %broadcast_in_dim3A_76 = vector.broadcast %broadcast_in_dim3A_75 : f32 to vector<1x1xf32>
      %slice3A = vector.extract_strided_slice %get3A_74 {offsets = [0, 0], sizes = [1, 127], strides = [1, 1]} : vector<1x128xf32> to vector<1x127xf32>
      %concatenate3A_77 = tpu.concatenate %broadcast_in_dim3A_76, %slice3A in 1 : vector<1x1xf32>, vector<1x127xf32> -> vector<1x128xf32>
      %add3A_78 = arith.addf %get3A_74, %concatenate3A_77 : vector<1x128xf32>
      %broadcast_in_dim3A_79 = arith.constant 0.000000e+00 : f32
      %broadcast_in_dim3A_80 = vector.broadcast %broadcast_in_dim3A_79 : f32 to vector<1x2xf32>
      %slice3A_81 = vector.extract_strided_slice %add3A_78 {offsets = [0, 0], sizes = [1, 126], strides = [1, 1]} : vector<1x128xf32> to vector<1x126xf32>
      %concatenate3A_82 = tpu.concatenate %broadcast_in_dim3A_80, %slice3A_81 in 1 : vector<1x2xf32>, vector<1x126xf32> -> vector<1x128xf32>
      %add3A_83 = arith.addf %add3A_78, %concatenate3A_82 : vector<1x128xf32>
      %broadcast_in_dim3A_84 = arith.constant 0.000000e+00 : f32
      %broadcast_in_dim3A_85 = vector.broadcast %broadcast_in_dim3A_84 : f32 to vector<1x4xf32>
      %slice3A_86 = vector.extract_strided_slice %add3A_83 {offsets = [0, 0], sizes = [1, 124], strides = [1, 1]} : vector<1x128xf32> to vector<1x124xf32>
      %concatenate3A_87 = tpu.concatenate %broadcast_in_dim3A_85, %slice3A_86 in 1 : vector<1x4xf32>, vector<1x124xf32> -> vector<1x128xf32>
      %add3A_88 = arith.addf %add3A_83, %concatenate3A_87 : vector<1x128xf32>
      %sub3A_89 = arith.subf %add3A_88, %get3A_74 : vector<1x128xf32>
      %iota3A_90 = tpu.iota {dimensions = array<i32: 1>} : vector<1x128xi32>
      %get3A_91 = arith.constant 0 : index
      %get3A_92 = arith.constant 0 : index
      %get3A_93 = vector.load %arg7[%get3A_91, %get3A_92] : memref<32x128xi32, #tpu.memory_space<vmem>>, vector<32x128xi32>
      %broadcast_in_dim3A_94 = arith.constant 0 : i32
      %broadcast_in_dim3A_95 = vector.broadcast %broadcast_in_dim3A_94 : i32 to vector<32x128xi32>
      %eq3A_96 = arith.constant 0 : i32
      %eq3A_97 = vector.broadcast %eq3A_96 : i32 to vector<1x128xi32>
      %eq3A_98 = arith.cmpi eq, %iota3A_90, %eq3A_97 : vector<1x128xi32>
      %convert_element_type3A_99 = arith.extui %eq3A_98 : vector<1x128xi1> to vector<1x128xi32>
      %convert_element_type3A_100 = arith.sitofp %convert_element_type3A_99 : vector<1x128xi32> to vector<1x128xf32>
      %mul3A_101 = arith.mulf %sub3A_89, %convert_element_type3A_100 : vector<1x128xf32>
      %reduce_sum3A_102 = arith.constant dense<0.000000e+00> : vector<1xf32>
      %reduce_sum3A_103 = vector.multi_reduction <add>, %mul3A_101, %reduce_sum3A_102 [1] : vector<1x128xf32> to vector<1xf32>
      %broadcast_in_dim3A_104 = vector.shape_cast %reduce_sum3A_103 : vector<1xf32> to vector<1x1xf32>
      %convert_element_type3A_105 = arith.fptosi %broadcast_in_dim3A_104 : vector<1x1xf32> to vector<1x1xi32>
      %eq3A_106 = arith.constant 0 : i32
      %eq3A_107 = vector.broadcast %eq3A_106 : i32 to vector<32x128xi32>
      %eq3A_108 = arith.cmpi eq, %get3A_93, %eq3A_107 : vector<32x128xi32>
      %jit3A_109 = arith.constant 0 : i32
      %broadcast_in_dim3A_110 = vector.shape_cast %convert_element_type3A_105 : vector<1x1xi32> to vector<1x1xi32>
      %broadcast_in_dim3A_111 = vector.broadcast %broadcast_in_dim3A_110 : vector<1x1xi32> to vector<32x128xi32>
      %broadcast_in_dim3A_112 = vector.broadcast %jit3A_109 : i32 to vector<32x128xi32>
      %select_n3A_113 = arith.select %eq3A_108, %broadcast_in_dim3A_111, %broadcast_in_dim3A_112 : vector<32x128xi1>, vector<32x128xi32>
      %add3A_114 = arith.addi %broadcast_in_dim3A_95, %select_n3A_113 : vector<32x128xi32>
      %eq3A_115 = arith.constant 1 : i32
      %eq3A_116 = vector.broadcast %eq3A_115 : i32 to vector<1x128xi32>
      %eq3A_117 = arith.cmpi eq, %iota3A_90, %eq3A_116 : vector<1x128xi32>
      %convert_element_type3A_118 = arith.extui %eq3A_117 : vector<1x128xi1> to vector<1x128xi32>
      %convert_element_type3A_119 = arith.sitofp %convert_element_type3A_118 : vector<1x128xi32> to vector<1x128xf32>
      %mul3A_120 = arith.mulf %sub3A_89, %convert_element_type3A_119 : vector<1x128xf32>
      %reduce_sum3A_121 = arith.constant dense<0.000000e+00> : vector<1xf32>
      %reduce_sum3A_122 = vector.multi_reduction <add>, %mul3A_120, %reduce_sum3A_121 [1] : vector<1x128xf32> to vector<1xf32>
      %broadcast_in_dim3A_123 = vector.shape_cast %reduce_sum3A_122 : vector<1xf32> to vector<1x1xf32>
      %convert_element_type3A_124 = arith.fptosi %broadcast_in_dim3A_123 : vector<1x1xf32> to vector<1x1xi32>
      %eq3A_125 = arith.constant 1 : i32
      %eq3A_126 = vector.broadcast %eq3A_125 : i32 to vector<32x128xi32>
      %eq3A_127 = arith.cmpi eq, %get3A_93, %eq3A_126 : vector<32x128xi32>
      %jit3A_128 = arith.constant 0 : i32
      %broadcast_in_dim3A_129 = vector.shape_cast %convert_element_type3A_124 : vector<1x1xi32> to vector<1x1xi32>
      %broadcast_in_dim3A_130 = vector.broadcast %broadcast_in_dim3A_129 : vector<1x1xi32> to vector<32x128xi32>
      %broadcast_in_dim3A_131 = vector.broadcast %jit3A_128 : i32 to vector<32x128xi32>
      %select_n3A_132 = arith.select %eq3A_127, %broadcast_in_dim3A_130, %broadcast_in_dim3A_131 : vector<32x128xi1>, vector<32x128xi32>
      %add3A_133 = arith.addi %add3A_114, %select_n3A_132 : vector<32x128xi32>
      %eq3A_134 = arith.constant 2 : i32
      %eq3A_135 = vector.broadcast %eq3A_134 : i32 to vector<1x128xi32>
      %eq3A_136 = arith.cmpi eq, %iota3A_90, %eq3A_135 : vector<1x128xi32>
      %convert_element_type3A_137 = arith.extui %eq3A_136 : vector<1x128xi1> to vector<1x128xi32>
      %convert_element_type3A_138 = arith.sitofp %convert_element_type3A_137 : vector<1x128xi32> to vector<1x128xf32>
      %mul3A_139 = arith.mulf %sub3A_89, %convert_element_type3A_138 : vector<1x128xf32>
      %reduce_sum3A_140 = arith.constant dense<0.000000e+00> : vector<1xf32>
      %reduce_sum3A_141 = vector.multi_reduction <add>, %mul3A_139, %reduce_sum3A_140 [1] : vector<1x128xf32> to vector<1xf32>
      %broadcast_in_dim3A_142 = vector.shape_cast %reduce_sum3A_141 : vector<1xf32> to vector<1x1xf32>
      %convert_element_type3A_143 = arith.fptosi %broadcast_in_dim3A_142 : vector<1x1xf32> to vector<1x1xi32>
      %eq3A_144 = arith.constant 2 : i32
      %eq3A_145 = vector.broadcast %eq3A_144 : i32 to vector<32x128xi32>
      %eq3A_146 = arith.cmpi eq, %get3A_93, %eq3A_145 : vector<32x128xi32>
      %jit3A_147 = arith.constant 0 : i32
      %broadcast_in_dim3A_148 = vector.shape_cast %convert_element_type3A_143 : vector<1x1xi32> to vector<1x1xi32>
      %broadcast_in_dim3A_149 = vector.broadcast %broadcast_in_dim3A_148 : vector<1x1xi32> to vector<32x128xi32>
      %broadcast_in_dim3A_150 = vector.broadcast %jit3A_147 : i32 to vector<32x128xi32>
      %select_n3A_151 = arith.select %eq3A_146, %broadcast_in_dim3A_149, %broadcast_in_dim3A_150 : vector<32x128xi1>, vector<32x128xi32>
      %add3A_152 = arith.addi %add3A_133, %select_n3A_151 : vector<32x128xi32>
      %eq3A_153 = arith.constant 3 : i32
      %eq3A_154 = vector.broadcast %eq3A_153 : i32 to vector<1x128xi32>
      %eq3A_155 = arith.cmpi eq, %iota3A_90, %eq3A_154 : vector<1x128xi32>
      %convert_element_type3A_156 = arith.extui %eq3A_155 : vector<1x128xi1> to vector<1x128xi32>
      %convert_element_type3A_157 = arith.sitofp %convert_element_type3A_156 : vector<1x128xi32> to vector<1x128xf32>
      %mul3A_158 = arith.mulf %sub3A_89, %convert_element_type3A_157 : vector<1x128xf32>
      %reduce_sum3A_159 = arith.constant dense<0.000000e+00> : vector<1xf32>
      %reduce_sum3A_160 = vector.multi_reduction <add>, %mul3A_158, %reduce_sum3A_159 [1] : vector<1x128xf32> to vector<1xf32>
      %broadcast_in_dim3A_161 = vector.shape_cast %reduce_sum3A_160 : vector<1xf32> to vector<1x1xf32>
      %convert_element_type3A_162 = arith.fptosi %broadcast_in_dim3A_161 : vector<1x1xf32> to vector<1x1xi32>
      %eq3A_163 = arith.constant 3 : i32
      %eq3A_164 = vector.broadcast %eq3A_163 : i32 to vector<32x128xi32>
      %eq3A_165 = arith.cmpi eq, %get3A_93, %eq3A_164 : vector<32x128xi32>
      %jit3A_166 = arith.constant 0 : i32
      %broadcast_in_dim3A_167 = vector.shape_cast %convert_element_type3A_162 : vector<1x1xi32> to vector<1x1xi32>
      %broadcast_in_dim3A_168 = vector.broadcast %broadcast_in_dim3A_167 : vector<1x1xi32> to vector<32x128xi32>
      %broadcast_in_dim3A_169 = vector.broadcast %jit3A_166 : i32 to vector<32x128xi32>
      %select_n3A_170 = arith.select %eq3A_165, %broadcast_in_dim3A_168, %broadcast_in_dim3A_169 : vector<32x128xi1>, vector<32x128xi32>
      %add3A_171 = arith.addi %add3A_152, %select_n3A_170 : vector<32x128xi32>
      %eq3A_172 = arith.constant 4 : i32
      %eq3A_173 = vector.broadcast %eq3A_172 : i32 to vector<1x128xi32>
      %eq3A_174 = arith.cmpi eq, %iota3A_90, %eq3A_173 : vector<1x128xi32>
      %convert_element_type3A_175 = arith.extui %eq3A_174 : vector<1x128xi1> to vector<1x128xi32>
      %convert_element_type3A_176 = arith.sitofp %convert_element_type3A_175 : vector<1x128xi32> to vector<1x128xf32>
      %mul3A_177 = arith.mulf %sub3A_89, %convert_element_type3A_176 : vector<1x128xf32>
      %reduce_sum3A_178 = arith.constant dense<0.000000e+00> : vector<1xf32>
      %reduce_sum3A_179 = vector.multi_reduction <add>, %mul3A_177, %reduce_sum3A_178 [1] : vector<1x128xf32> to vector<1xf32>
      %broadcast_in_dim3A_180 = vector.shape_cast %reduce_sum3A_179 : vector<1xf32> to vector<1x1xf32>
      %convert_element_type3A_181 = arith.fptosi %broadcast_in_dim3A_180 : vector<1x1xf32> to vector<1x1xi32>
      %eq3A_182 = arith.constant 4 : i32
      %eq3A_183 = vector.broadcast %eq3A_182 : i32 to vector<32x128xi32>
      %eq3A_184 = arith.cmpi eq, %get3A_93, %eq3A_183 : vector<32x128xi32>
      %jit3A_185 = arith.constant 0 : i32
      %broadcast_in_dim3A_186 = vector.shape_cast %convert_element_type3A_181 : vector<1x1xi32> to vector<1x1xi32>
      %broadcast_in_dim3A_187 = vector.broadcast %broadcast_in_dim3A_186 : vector<1x1xi32> to vector<32x128xi32>
      %broadcast_in_dim3A_188 = vector.broadcast %jit3A_185 : i32 to vector<32x128xi32>
      %select_n3A_189 = arith.select %eq3A_184, %broadcast_in_dim3A_187, %broadcast_in_dim3A_188 : vector<32x128xi1>, vector<32x128xi32>
      %add3A_190 = arith.addi %add3A_171, %select_n3A_189 : vector<32x128xi32>
      %eq3A_191 = arith.constant 5 : i32
      %eq3A_192 = vector.broadcast %eq3A_191 : i32 to vector<1x128xi32>
      %eq3A_193 = arith.cmpi eq, %iota3A_90, %eq3A_192 : vector<1x128xi32>
      %convert_element_type3A_194 = arith.extui %eq3A_193 : vector<1x128xi1> to vector<1x128xi32>
      %convert_element_type3A_195 = arith.sitofp %convert_element_type3A_194 : vector<1x128xi32> to vector<1x128xf32>
      %mul3A_196 = arith.mulf %sub3A_89, %convert_element_type3A_195 : vector<1x128xf32>
      %reduce_sum3A_197 = arith.constant dense<0.000000e+00> : vector<1xf32>
      %reduce_sum3A_198 = vector.multi_reduction <add>, %mul3A_196, %reduce_sum3A_197 [1] : vector<1x128xf32> to vector<1xf32>
      %broadcast_in_dim3A_199 = vector.shape_cast %reduce_sum3A_198 : vector<1xf32> to vector<1x1xf32>
      %convert_element_type3A_200 = arith.fptosi %broadcast_in_dim3A_199 : vector<1x1xf32> to vector<1x1xi32>
      %eq3A_201 = arith.constant 5 : i32
      %eq3A_202 = vector.broadcast %eq3A_201 : i32 to vector<32x128xi32>
      %eq3A_203 = arith.cmpi eq, %get3A_93, %eq3A_202 : vector<32x128xi32>
      %jit3A_204 = arith.constant 0 : i32
      %broadcast_in_dim3A_205 = vector.shape_cast %convert_element_type3A_200 : vector<1x1xi32> to vector<1x1xi32>
      %broadcast_in_dim3A_206 = vector.broadcast %broadcast_in_dim3A_205 : vector<1x1xi32> to vector<32x128xi32>
      %broadcast_in_dim3A_207 = vector.broadcast %jit3A_204 : i32 to vector<32x128xi32>
      %select_n3A_208 = arith.select %eq3A_203, %broadcast_in_dim3A_206, %broadcast_in_dim3A_207 : vector<32x128xi1>, vector<32x128xi32>
      %add3A_209 = arith.addi %add3A_190, %select_n3A_208 : vector<32x128xi32>
      %eq3A_210 = arith.constant 6 : i32
      %eq3A_211 = vector.broadcast %eq3A_210 : i32 to vector<1x128xi32>
      %eq3A_212 = arith.cmpi eq, %iota3A_90, %eq3A_211 : vector<1x128xi32>
      %convert_element_type3A_213 = arith.extui %eq3A_212 : vector<1x128xi1> to vector<1x128xi32>
      %convert_element_type3A_214 = arith.sitofp %convert_element_type3A_213 : vector<1x128xi32> to vector<1x128xf32>
      %mul3A_215 = arith.mulf %sub3A_89, %convert_element_type3A_214 : vector<1x128xf32>
      %reduce_sum3A_216 = arith.constant dense<0.000000e+00> : vector<1xf32>
      %reduce_sum3A_217 = vector.multi_reduction <add>, %mul3A_215, %reduce_sum3A_216 [1] : vector<1x128xf32> to vector<1xf32>
      %broadcast_in_dim3A_218 = vector.shape_cast %reduce_sum3A_217 : vector<1xf32> to vector<1x1xf32>
      %convert_element_type3A_219 = arith.fptosi %broadcast_in_dim3A_218 : vector<1x1xf32> to vector<1x1xi32>
      %eq3A_220 = arith.constant 6 : i32
      %eq3A_221 = vector.broadcast %eq3A_220 : i32 to vector<32x128xi32>
      %eq3A_222 = arith.cmpi eq, %get3A_93, %eq3A_221 : vector<32x128xi32>
      %jit3A_223 = arith.constant 0 : i32
      %broadcast_in_dim3A_224 = vector.shape_cast %convert_element_type3A_219 : vector<1x1xi32> to vector<1x1xi32>
      %broadcast_in_dim3A_225 = vector.broadcast %broadcast_in_dim3A_224 : vector<1x1xi32> to vector<32x128xi32>
      %broadcast_in_dim3A_226 = vector.broadcast %jit3A_223 : i32 to vector<32x128xi32>
      %select_n3A_227 = arith.select %eq3A_222, %broadcast_in_dim3A_225, %broadcast_in_dim3A_226 : vector<32x128xi1>, vector<32x128xi32>
      %add3A_228 = arith.addi %add3A_209, %select_n3A_227 : vector<32x128xi32>
      %eq3A_229 = arith.constant 7 : i32
      %eq3A_230 = vector.broadcast %eq3A_229 : i32 to vector<1x128xi32>
      %eq3A_231 = arith.cmpi eq, %iota3A_90, %eq3A_230 : vector<1x128xi32>
      %convert_element_type3A_232 = arith.extui %eq3A_231 : vector<1x128xi1> to vector<1x128xi32>
      %convert_element_type3A_233 = arith.sitofp %convert_element_type3A_232 : vector<1x128xi32> to vector<1x128xf32>
      %mul3A_234 = arith.mulf %sub3A_89, %convert_element_type3A_233 : vector<1x128xf32>
      %reduce_sum3A_235 = arith.constant dense<0.000000e+00> : vector<1xf32>
      %reduce_sum3A_236 = vector.multi_reduction <add>, %mul3A_234, %reduce_sum3A_235 [1] : vector<1x128xf32> to vector<1xf32>
      %broadcast_in_dim3A_237 = vector.shape_cast %reduce_sum3A_236 : vector<1xf32> to vector<1x1xf32>
      %convert_element_type3A_238 = arith.fptosi %broadcast_in_dim3A_237 : vector<1x1xf32> to vector<1x1xi32>
      %eq3A_239 = arith.constant 7 : i32
      %eq3A_240 = vector.broadcast %eq3A_239 : i32 to vector<32x128xi32>
      %eq3A_241 = arith.cmpi eq, %get3A_93, %eq3A_240 : vector<32x128xi32>
      %jit3A_242 = arith.constant 0 : i32
      %broadcast_in_dim3A_243 = vector.shape_cast %convert_element_type3A_238 : vector<1x1xi32> to vector<1x1xi32>
      %broadcast_in_dim3A_244 = vector.broadcast %broadcast_in_dim3A_243 : vector<1x1xi32> to vector<32x128xi32>
      %broadcast_in_dim3A_245 = vector.broadcast %jit3A_242 : i32 to vector<32x128xi32>
      %select_n3A_246 = arith.select %eq3A_241, %broadcast_in_dim3A_244, %broadcast_in_dim3A_245 : vector<32x128xi1>, vector<32x128xi32>
      %add3A_247 = arith.addi %add3A_228, %select_n3A_246 : vector<32x128xi32>
      %get3A_248 = arith.constant 0 : index
      %get3A_249 = arith.constant 0 : index
      %get3A_250 = vector.load %arg8[%get3A_248, %get3A_249] : memref<32x128xi32, #tpu.memory_space<vmem>>, vector<32x128xi32>
      %add3A_251 = arith.addi %get3A_250, %add3A_247 : vector<32x128xi32>
      %swap3A_252 = arith.constant 0 : index
      %swap3A_253 = arith.constant 0 : index
      %swap3A_254 = vector.load %arg4[%swap3A_252, %swap3A_253] : memref<32x128xi32, #tpu.memory_space<vmem>>, vector<32x128xi32>
      tpu.vector_store %arg4[%swap3A_252, %swap3A_253], %add3A_251 {strides = array<i32>} : memref<32x128xi32, #tpu.memory_space<vmem>>, vector<32x128xi32>,
    } else {
    }
    %get3A_65 = arith.constant 0 : index
    %get3A_66 = arith.constant 0 : index
    %get3A_67 = vector.load %arg6[%get3A_65, %get3A_66] : memref<1x128xf32, #tpu.memory_space<vmem>>, vector<1x128xf32>
    %convert_element_type3A_68 = arith.fptosi %get3A_67 : vector<1x128xf32> to vector<1x128xi32>
    %swap3A_69 = arith.constant 0 : index
    %swap3A_70 = arith.constant 0 : index
    %swap3A_71 = vector.load %arg5[%swap3A_69, %swap3A_70] : memref<1x128xi32, #tpu.memory_space<vmem>>, vector<1x128xi32>
    tpu.vector_store %arg5[%swap3A_69, %swap3A_70], %convert_element_type3A_68 {strides = array<i32>} : memref<1x128xi32, #tpu.memory_space<vmem>>, vector<1x128xi32>,
    return
  }
  func.func @transform_0(%arg0: i32) -> (i32, i32) {
    %c0_i32 = arith.constant 0 : i32
    %c0_i32_0 = arith.constant 0 : i32
    return %arg0, %c0_i32 : i32, i32
  }
  func.func @transform_1(%arg0: i32) -> (i32, i32) {
    %c0_i32 = arith.constant 0 : i32
    %c0_i32_0 = arith.constant 0 : i32
    %c0_i32_1 = arith.constant 0 : i32
    return %c0_i32, %c0_i32_0 : i32, i32
  }
  func.func @transform_2(%arg0: i32) -> (i32, i32) {
    %c0_i32 = arith.constant 0 : i32
    %c0_i32_0 = arith.constant 0 : i32
    %c0_i32_1 = arith.constant 0 : i32
    return %c0_i32, %c0_i32_0 : i32, i32
  }
  func.func @transform_3(%arg0: i32) -> (i32, i32) {
    %c0_i32 = arith.constant 0 : i32
    %c0_i32_0 = arith.constant 0 : i32
    %c0_i32_1 = arith.constant 0 : i32
    return %c0_i32, %c0_i32_0 : i32, i32
  }
  func.func @transform_4(%arg0: i32) -> (i32, i32) {
    %c0_i32 = arith.constant 0 : i32
    %c0_i32_0 = arith.constant 0 : i32
    %c0_i32_1 = arith.constant 0 : i32
    return %c0_i32, %c0_i32_0 : i32, i32
  }
}

</mosaic_0001>

<sc_bundles>
// kernel: kernel.6.cloned.1.call-start
scs
__scs_entry_jumppad:
0x0: {  	(pc) =	sbr.rel $0x88, $3  }
0x1: {  	(tag) =	ssettag $0x0;
	lr =	simm.s32 $0x1  }
0x2: {  	[smem:$0x3F9A] =	sst lr;
	_ =	strace $0xD0000000  }
0x3: {  	_ = 	snop  }
0x4: {  	_ = 	snop  }
0x5: {  	_ = 	snop  }
0x6: {  	_ = 	snop  }
0x7: {  	_ = 	snop  }
__scs_overlays_trampoline_lowered:
0x8: {  	[smem:$0x3FA9] =	sst s0  }
0x9: {  	[smem:$0x3FAA] =	sst s1  }
0xa: {  	[smem:$0x3FAB] =	sst s2  }
0xb: {  	[smem:$0x3FAC] =	sst s3  }
0xc: {  	[smem:$0x3FAD] =	sst s4  }
0xd: {  	[smem:$0x3FAE] =	sst s5  }
0xe: {  	[smem:$0x3FAF] =	sst s6  }
0xf: {  	[smem:$0x3FB0] =	sst s7  }
0x10: {  	[smem:$0x3FB1] =	sst s8  }
0x11: {  	[smem:$0x3FB2] =	sst s9;
	s0 =	simm.s32 @!p0 $0x0  }
0x12: {  	s1 =	sld [smem:$0x3F98];
	s0 =	simm.s32 @p0 $0x1  }
0x13: {  	[smem:$0x3FB3] =	sst s0;
	s0 =	simm.s32 @!p1 $0x0  }
0x14: {  	s2 =	sld [smem:$0x3F97];
	s0 =	simm.s32 @p1 $0x1  }
0x15: {  	[smem:$0x3FB4] =	sst s0;
	s0 =	simm.s32 @!p2 $0x0  }
0x16: {  	s3 =	sld [smem:$0x3FDB];
	s0 =	simm.s32 @p2 $0x1  }
0x17: {  	s4 =	simm.s32 $0x1BF5;
	[smem:$0x3FB6] =	sst s0  }
0x18: {  	s0 =	sld [smem:$0x3F99];
	_ =	swait.ge [sflag:s4], $0x0  }
0x19: {  	s7 =	sld [smem:$0x3F9A]  }
0x1a: {  	s8 =	sadd.s32 $0xFFFFE003, lr  }
0x1b: {  	s9 =	sadd.s32 $0xFFFFFEF7, lr;
	s5 =	simm.s32 $0xFFFFFFFF;
	p2 =	slt.u32 s8, $0xFFFFF086  }
0x1c: {  	p1 =	slt.u32 s9, $0xF7A;
	s5 =	simm.s32 @!p2 $0x0  }
0x1d: {  	s5 =	simm.s32 @p1 $0x1;
	p0 =	seq.s32 s7, s2  }
0x1e: {  	s7 =	smul.u32 @!p0 $0xF7A, s2;
	p2 =	seq.s32 @!p0 s5, $0x0  }
0x1f: {  	s9 =	smul.u32 $0xF7A, s1;
	s8 =	simm.s32 @!p0 $0x1BF5;
	p2 =	por !p2, p0  }
0x20: {  	[sflag:s8] =	ssyncset.s32 @!p0 $0xFFFFF086;
	s6 =	sadd.s32 @!p0 s3, s7;
	s7 =	simm.s32 @!p0 $0x108  }
0x21: {  	s3 =	sadd.s32 s3, s9;
	s6 =	sadd.s32 @!p0 $0x88, s6;
	s7 =	simm.s32 @p2 $0x1082  }
0x22: {  	[simem:s7], [sflag:s8] =	dma.local @!p0 [hbm:s6], $0xF7A  }
0x23: {  	s9 =	sor.u32 $0xD0000000, s2;
	s6 =	simm.s32 $0x108;
	_ =	swait.ge @!p0 [sflag:s8], $0x0  }
0x24: {  	s3 =	sadd.s32 $0x88, s3;
	s6 =	simm.s32 @!p1 $0x1082;
	[sflag:s4] =	ssyncset.s32 $0xFFFFF086  }
0x25: {  	[simem:s6], [sflag:s4] =	dma.local [hbm:s3], $0xF7A  }
0x26: {  	[smem:$0x3F9A] =	sst s1;
	(tag) =	ssettag s2;
	_ =	strace s9  }
0x27: {  	s1 =	sld [smem:$0x3FAA]  }
0x28: {  	s2 =	sld [smem:$0x3FAB]  }
0x29: {  	s4 =	sld [smem:$0x3FAD]  }
0x2a: {  	p0 =	seq.s32 s5, $0x0;
	s5 =	sld [smem:$0x3FAE]  }
0x2b: {  	s6 =	sld [smem:$0x3FAF]  }
0x2c: {  	s7 =	sld [smem:$0x3FB0]  }
0x2d: {  	s3 =	simm.s32 $0x108;
	s8 =	sld [smem:$0x3FB1]  }
0x2e: {  	s3 =	simm.s32 @!p0 $0x1082;
	s9 =	sld [smem:$0x3FB2]  }
0x2f: {  	lr =	sadd.s32 s0, s3;
	s0 =	sld [smem:$0x3FA9]  }
0x30: {  	s3 =	sld [smem:$0x3FAC]  }
0x31: {  	[smem:$0x3FB5] =	sst s10  }
0x32: {  	s10 =	sld [smem:$0x3FB3];
	_ =	sdelay $0x3  }
0x33: {  	p0 =	seq.s32 s10, $0x1;
	s10 =	sld [smem:$0x3FB5];
	_ =	sdelay $0x3  }
0x34: {  	[smem:$0x3FB5] =	sst s10  }
0x35: {  	s10 =	sld [smem:$0x3FB4];
	_ =	sdelay $0x3  }
0x36: {  	p1 =	seq.s32 s10, $0x1;
	s10 =	sld [smem:$0x3FB5];
	_ =	sdelay $0x3  }
0x37: {  	[smem:$0x3FB5] =	sst s10  }
0x38: {  	s10 =	sld [smem:$0x3FB6]  }
0x39: {  	_ = 	snop;
	(pc) =	sbr.ind lr, $3  }
0x3a: {  	_ = 	snop  }
0x3b: {  	_ = 	snop  }
0x3c: {  	p2 =	seq.s32 s10, $0x1;
	s10 =	sld [smem:$0x3FB5]  }
0x3d: {  	_ =	shalt  }
0x3e: {  	_ =	shalt  }
0x3f: {  	_ =	shalt  }
0x40: {  	_ =	shalt  }
0x41: {  	_ =	shalt  }
0x42: {  	_ =	shalt  }
0x43: {  	_ =	shalt  }
0x44: {  	_ =	shalt  }
0x45: {  	_ =	shalt  }
0x46: {  	_ =	shalt  }
0x47: {  	_ =	shalt  }
0x48: {  	_ =	shalt  }
0x49: {  	_ =	shalt  }
0x4a: {  	_ =	shalt  }
0x4b: {  	_ =	shalt  }
0x4c: {  	_ =	shalt  }
0x4d: {  	_ =	shalt  }
0x4e: {  	_ =	shalt  }
0x4f: {  	_ =	shalt  }
0x50: {  	_ =	shalt  }
0x51: {  	_ =	shalt  }
0x52: {  	_ =	shalt  }
0x53: {  	_ =	shalt  }
0x54: {  	_ =	shalt  }
0x55: {  	_ =	shalt  }
0x56: {  	_ =	shalt  }
0x57: {  	_ =	shalt  }
0x58: {  	_ =	shalt  }
0x59: {  	_ =	shalt  }
0x5a: {  	_ =	shalt  }
0x5b: {  	_ =	shalt  }
0x5c: {  	_ =	shalt  }
0x5d: {  	_ =	shalt  }
0x5e: {  	_ =	shalt  }
0x5f: {  	_ =	shalt  }
0x60: {  	_ =	shalt  }
0x61: {  	_ =	shalt  }
0x62: {  	_ =	shalt  }
0x63: {  	_ =	shalt  }
0x64: {  	_ =	shalt  }
0x65: {  	_ =	shalt  }
0x66: {  	_ =	shalt  }
0x67: {  	_ =	shalt  }
0x68: {  	_ =	shalt  }
0x69: {  	_ =	shalt  }
0x6a: {  	_ =	shalt  }
0x6b: {  	_ =	shalt  }
0x6c: {  	_ =	shalt  }
0x6d: {  	_ =	shalt  }
0x6e: {  	_ =	shalt  }
0x6f: {  	_ =	shalt  }
0x70: {  	_ =	shalt  }
0x71: {  	_ =	shalt  }
0x72: {  	_ =	shalt  }
0x73: {  	_ =	shalt  }
0x74: {  	_ =	shalt  }
0x75: {  	_ =	shalt  }
0x76: {  	_ =	shalt  }
0x77: {  	_ =	shalt  }
0x78: {  	_ =	shalt  }
0x79: {  	_ =	shalt  }
0x7a: {  	_ =	shalt  }
0x7b: {  	_ =	shalt  }
0x7c: {  	_ =	shalt  }
0x7d: {  	_ =	shalt  }
0x7e: {  	_ =	shalt  }
0x7f: {  	_ =	shalt  }
0x80: {  	_ =	shalt  }
0x81: {  	_ =	shalt  }
0x82: {  	_ =	shalt  }
0x83: {  	_ =	shalt  }
0x84: {  	_ =	shalt  }
0x85: {  	_ =	shalt  }
0x86: {  	_ =	shalt  }
0x87: {  	_ =	shalt  }
.Lfunc_end0:
.L_simem_size_0:
called_computation_lowered:
.L_overlay_start_0:
0x88: {  	s2 =	sld [smem:$0x3FD9]  }
0x89: {  	s3 =	sld [smem:$0x3FFE];
	_ =	sdelay $0x1  }
0x8a: {  	s1 =	srdreg.scid  }
0x8b: {  	s0 =	sand.u32 $0x1, s1  }
0x8c: {  	s17 =	sshll.u32 s0, $0xA;
	s2 =	sadd.s32 s3, s2  }
0x8d: {  	s2 =	sadd.s32 s2, s17  }
0x8e: {  	[smem:$0x3FC1] =	sst s2  }
0x8f: {  	_ = 	snop  }
0x90: {  	s2 =	sld [smem:$0x3FC9]  }
0x91: {  	s18 =	sld [smem:$0x3FD0];
	(tm) =	ssettm $0x1  }
0x92: {  	s4 =	sld [smem:$0x3FFB];
	_ =	sdelay $0x3  }
0x93: {  	_ =	strace s4  }
0x94: {  	s4 =	sld [smem:$0x3FFC];
	_ =	sdelay $0x3  }
0x95: {  	_ =	strace s4  }
0x96: {  	s4 =	sld [smem:$0x3FFD];
	_ =	sdelay $0x3  }
0x97: {  	_ =	strace s4  }
0x98: {  	_ =	strace $0x8FFFFFFF  }
0x99: {  	s19 =	sld [smem:$0x3FDB];
	_ =	sdelay $0x1  }
0x9a: {  	s5 =	simm.s32 $_scs_section_size  }
0x9b: {  	s6 =	simm.s32 $_size__tile_overlayer_lowered;
	s7 =	simm.s32 $_tile_overlayer_lowered  }
0x9c: {  	s22 =	simm.s32 $0x1BFF;
	s21 =	sshll.u32 s7, $0x1;
	s4 =	sadd.s32 s5, s19  }
0x9d: {  	s8 =	simm.s32 $0x0;
	s20 =	sshll.u32 s6, $0x1;
	s6 =	sadd.s32 s21, s4  }
0x9e: {  	[timem:s8], [sflag:s22] =	dma.local [hbm:s6], s20  }
0x9f: {  	_ =	swait.ge [sflag:s22], s20  }
0xa0: {  	s5 =	ssub.s32 $0x0, s20;
	[sflag:s22] =	ssyncset.done $0x0  }
0xa1: {  	[sflag:s22] =	ssyncadd.s32 s5;
	_ =	sdelay $0x1  }
0xa2: {  	s23 =	simm.s32 $0x1B8B  }
0xa3: {  	_ =	swait.ge [sflag:s23], $0x1  }
0xa4: {  	[sflag:s23] =	ssyncset.done $0x0  }
0xa5: {  	s25 =	simm.s32 $0x1B8E;
	s24 =	sld [smem:$0x3FFE];
	[sflag:s23] =	ssyncadd.s32 $0xFFFFFFFF  }
0xa6: {  	s26 =	simm.s32 $execute0_lowered;
	[smem:$0x3FD2] =	sst s25  }
0xa7: {  	s6 =	sshll.u32 s26, $0x1;
	_ =	strace $0x80000046;
	[dreg:$0x1] =	wrdreg $0xFFFFFFFF  }
0xa8: {  	s28 =	simm.s32 $_size_execute0_lowered;
	s4 =	sadd.s32 s4, s6;
	[dreg:$0x0] =	wrdreg $0x0  }
0xa9: {  	s6 =	sshll.u32 s28, $0x1;
	[dreg:$0x2] =	wrdreg s4  }
0xaa: {  	[dreg:$0x3] =	wrdreg s6  }
0xab: {  	[dreg:$0x4] =	wrdreg $0xC0  }
0xac: {  	_ =	task [dreg:s8], $0x5FFFF  }
0xad: {  	[dreg:$0x1] =	wrdreg $0xFFFFFFFF  }
0xae: {  	[dreg:$0x0] =	wrdreg $0x60  }
0xaf: {  	[dreg:$0x2] =	wrdreg s2  }
0xb0: {  	[dreg:$0x3] =	wrdreg s24  }
0xb1: {  	[dreg:$0x4] =	wrdreg s18  }
0xb2: {  	[dreg:$0x5] =	wrdreg $0x9  }
0xb3: {  	_ =	task.clear_ibuf [dreg:s8], $0x6FFFF;
	_ =	strace $0x90000046  }
0xb4: {  	s29 =	simm.s32 $0x9;
	_ =	strace $0x80000048  }
0xb5: {  	_ =	swait.ge [sflag:s29], $0x1  }
0xb6: {  	[sflag:s29] =	ssyncadd.s32 $0xFFFFFFFF  }
0xb7: {  	_ =	strace $0x90000048  }
0xb8: {  	_ =	sfence  }
0xb9: {  	s30 =	sld [smem:$0x0];
	_ =	sdelay $0x2  }
0xba: {  	s31 =	sshll.u32 s1, $0xD;
	s1 =	sshrl.u32 s1, $0x2  }
0xbb: {  	s3 =	sand.u32 $0x4000, s31;
	s1 =	sadd.s32 s1, s30  }
0xbc: {  	s0 =	sor.u32 s3, s0;
	s1 =	sshll.u32 s1, $0x11  }
0xbd: {  	s0 =	sor.u32 s1, s0  }
0xbe: {  	s0 =	sadd.s32 $0x8F2B, s0  }
0xbf: {  	[sflag:s0] =	ssyncadd.remote.s32 $0x1  }
0xc0: {  	_ =	sfence.sel $0xFFFF  }
0xc1: {  	[dreg:$0x0] =	wrdreg $0xFFFFFFFF;
	(pc) =	sbr.abs _section_cstart, $3  }
0xc2: {  	[dreg:$0x1] =	wrdreg $0xFFFFFFFF  }
0xc3: {  	_ =	task.clear_ibuf [dreg:s8], $0x2FFFF;
	_ =	strace $0x9FFFFFFF  }
0xc4: {  	(tm) =	ssettm $0x7FFFFFFF  }
0xc5: {  	_ =	shalt  }
tec
execute0_lowered:
.L_overlay_start_1:
0x0: {  	(tag) =	ssettag $0x1  }
0x1: {  	s0 =	rddreg [dreg:$0x0]  }
0x2: {  	s4 =	rddreg [dreg:$0x1]  }
0x3: {  	s2 =	rddreg [dreg:$0x2];
	s3 =	simm.s32 $0x0  }
0x4: {  	s21 =	simm.s32 $0x80;
	[smem:$0x7FF] =	sst s3  }
0x5: {  	s22 =	simm.s32 $0x900;
	_ =	strace $0x80000047;
	[dreg:$0x8] =	wrdreg s21  }
0x6: {  	s23 =	simm.s32 $0x1100;
	[dreg:$0x9] =	wrdreg s22  }
0x7: {  	s24 =	simm.s32 $0x1900;
	[dreg:$0xa] =	wrdreg s23  }
0x8: {  	s25 =	simm.s32 $0x2100;
	[dreg:$0xb] =	wrdreg s24  }
0x9: {  	s1 =	stileid.u32;
	s26 =	simm.s32 $0x2900;
	[dreg:$0xc] =	wrdreg s25  }
0xa: {  	s6 =	sshll.u32 s1, $0x5;
	s1 =	simm.s32 $0x3100;
	[dreg:$0xd] =	wrdreg s26  }
0xb: {  	s9 =	simm.s32 $0x5900;
	[dreg:$0xe] =	wrdreg s1  }
0xc: {  	s5 =	srdreg.scid;
	s10 =	simm.s32 $0x6100;
	[dreg:$0x13] =	wrdreg s9  }
0xd: {  	s11 =	simm.s32 $0x6900;
	s12 =	simm.s32 $0x7100;
	[dreg:$0x14] =	wrdreg s10  }
0xe: {  	s13 =	simm.s32 $0x7900;
	s15 =	simm.s32 $0x8100;
	[dreg:$0x15] =	wrdreg s11  }
0xf: {  	s16 =	simm.s32 $0x8900;
	s18 =	simm.s32 $0x9100;
	[dreg:$0x16] =	wrdreg s12  }
0x10: {  	s28 =	simm.s32 $0x15900;
	s29 =	simm.s32 $0x16100;
	[dreg:$0x17] =	wrdreg s13  }
0x11: {  	s30 =	simm.s32 $0x16900;
	s31 =	simm.s32 $0x17100;
	[dreg:$0x18] =	wrdreg s15  }
0x12: {  	s5 =	sand.u32 $0x1, s5;
	s4 =	sadd.s32 $0x1800, s4;
	[dreg:$0x19] =	wrdreg s16  }
0x13: {  	s7 =	sshll.u32 s5, $0x4;
	s14 =	ssub.s32 $0x2, s5;
	[dreg:$0x1a] =	wrdreg s18  }
0x14: {  	s21 =	simm.s32 $0xA900;
	s22 =	simm.s32 $0xB100;
	s23 =	simm.s32 $0xB900  }
0x15: {  	s9 =	simm.s32 $0x3;
	s24 =	simm.s32 $0xC900;
	[dreg:$0x1d] =	wrdreg s21  }
0x16: {  	s10 =	simm.s32 $0x1;
	s25 =	simm.s32 $0xD100;
	[dreg:$0x1e] =	wrdreg s22  }
0x17: {  	s11 =	simm.s32 $0x2;
	s26 =	simm.s32 $0xD900;
	[dreg:$0x1f] =	wrdreg s23  }
0x18: {  	s15 =	simm.s32 $0xF900;
	s16 =	simm.s32 $0x10100;
	[smem:$0x7FB] =	sst s24  }
0x19: {  	s18 =	simm.s32 $0x11100;
	s6 =	sor.u32 s7, s6;
	[smem:$0x7FC] =	sst s25  }
0x1a: {  	s5 =	sshrl.u32 s14, $0x1;
	[smem:$0x7FD] =	sst s26;
	s21 =	simm.s32 $0x12900  }
0x1b: {  	s22 =	simm.s32 $0x13100;
	s23 =	simm.s32 $0x13900;
	s24 =	simm.s32 $0x14100  }
0x1c: {  	s25 =	simm.s32 $0x14900;
	s7 =	sadd.s32 s4, s6;
	s8 =	sor.u32 $0x8, s6  }
0x1d: {  	s26 =	simm.s32 $0x15100;
	[dreg:$0x4] =	wrdreg s7;
	s4 =	sadd.s32 s4, s8  }
0x1e: {  	s6 =	smul.u32 $0x300, s6;
	s7 =	simm.s32 $0x4900;
	[dreg:$0x5] =	wrdreg s4  }
0x1f: {  	s19 =	smul.u32 $0x300, s8;
	s8 =	simm.s32 $0x5100;
	[dreg:$0x11] =	wrdreg s7  }
0x20: {  	s17 =	ssub.s32 s14, s5;
	s20 =	sadd.s32 s0, s6;
	[dreg:$0x12] =	wrdreg s8  }
0x21: {  	s5 =	sadd.s32 $0x200, s2;
	s4 =	simm.s32 $0x3900;
	[dreg:$0x6] =	wrdreg s20  }
0x22: {  	s14 =	simm.s32 $0xF100;
	s6 =	simm.s32 $0x4100;
	[dreg:$0xf] =	wrdreg s4  }
0x23: {  	s7 =	simm.s32 $0x100;
	s0 =	sadd.s32 s0, s19;
	[dreg:$0x10] =	wrdreg s6  }
0x24: {  	s8 =	simm.s32 $0xC100;
	s19 =	simm.s32 $0x9900;
	[dreg:$0x7] =	wrdreg s0  }
0x25: {  	v2 =	vlaneseq.u32;
	s4 =	sadd.s32 $0x100, s2;
	s20 =	simm.s32 $0xA100;
	[dreg:$0x1b] =	wrdreg s19  }
0x26: {  	vm0 =	vmmov $0xffff;
	v1 =	vshrl.u32 v2, $0x3;
	s6 =	smax.u32 s17, $0x1;
	s17 =	simm.s32 $0x10900;
	[dreg:$0x1c] =	wrdreg s20  }
0x27: {  	v0 =	vand.u32 $0x7, v2;
	v2 =	vor.u32 $0x8, v2;
	v1 =	vmul.u32 $0x8, v1;
	s19 =	simm.s32 $0x11900;
	s20 =	simm.s32 $0x12100;
	s0 =	simm.s32 $0x17900  }
.LBB2_1:
0x28: {  	s1 =	rddreg [dreg:$0x4]  }
0x29: {  	s12 =	rddreg [dreg:$0x5]  }
0x2a: {  	[tilespmem:s3], [sflag:$0x3] =	stream.linear.gather [hbm4b:s1+s3], $0x40, $0x38;
	[tilespmem:$0x18100] =	vst v63  }
0x2b: {  	s13 =	rddreg [dreg:$0x8]  }
0x2c: {  	[tilespmem:s13], [sflag:$0x3] =	stream.linear.gather [hbm4b:s12+s3], $0x40, $0x38;
	[tilespmem:$0x18100] =	vst v63  }
0x2d: {  	s1 =	rddreg [dreg:$0x6]  }
0x2e: {  	[tilespmem:s7], [sflag:$0x1] =	stream.linear.gather [hbm4b:s1+s3], $0xC000, $0x38;
	[tilespmem:$0x18100] =	vst v63  }
0x2f: {  	s13 =	rddreg [dreg:$0x7]  }
0x30: {  	[tilespmem:s8], [sflag:$0x2] =	stream.linear.gather [hbm4b:s13+s3], $0xC000, $0x38;
	[tilespmem:$0x18100] =	vst v63  }
0x31: {  	_ =	swait.ge [sflag:s9], $0x40  }
0x32: {  	[sflag:s9] =	ssyncset.done $0x0  }
0x33: {  	[sflag:s9] =	ssyncadd.s32 $0xFFFFFFC0  }
0x34: {  	_ =	swait.ge [sflag:s9], $0x40  }
0x35: {  	[sflag:s9] =	ssyncset.done $0x0  }
0x36: {  	[sflag:s9] =	ssyncadd.s32 $0xFFFFFFC0  }
0x37: {  	_ =	swait.ge [sflag:s10], $0xC000  }
0x38: {  	[sflag:s10] =	ssyncset.done $0x0  }
0x39: {  	[sflag:s10] =	ssyncadd.s32 $0xFFFF4000  }
0x3a: {  	v3 =	vld [tilespmem:$0x0];
	_ =	sdelay $0x4  }
0x3b: {  	v4 =	vshrl.u32 v3, $0x3  }
0x3c: {  	v4 =	vmul.u32 $0x30, v4  }
0x3d: {  	v3 =	vand.u32 $0x7, v3  }
0x3e: {  	v3 =	vor.u32 v3, v4  }
0x3f: {  	v4 =	vperm.xlane v3, v0;
	_ =	sdelay $0x1  }
0x40: {  	v4 =	vadd.s32 v1, v4;
	_ =	sdelay $0x3  }
0x41: {  	v3 =	vperm.xlane v3, v2  }
0x42: {  	[hbm4b:s2+s3] =	stream.indirect_vreg.scatter [tilespmem:s7], [sflag:$0x3], $0x80, v4, vm0, $0xb8;
	[tilespmem:$0x18100] =	vst v63  }
0x43: {  	s13 =	rddreg [dreg:$0x9];
	v3 =	vadd.s32 v1, v3  }
0x44: {  	[hbm4b:s4+s3] =	stream.indirect_vreg.scatter [tilespmem:s13], [sflag:$0x3], $0x80, v4, vm0, $0xb8;
	[tilespmem:$0x18100] =	vst v63  }
0x45: {  	s12 =	rddreg [dreg:$0xa]  }
0x46: {  	[hbm4b:s5+s3] =	stream.indirect_vreg.scatter [tilespmem:s12], [sflag:$0x3], $0x80, v4, vm0, $0xb8;
	[tilespmem:$0x18100] =	vst v63  }
0x47: {  	s13 =	rddreg [dreg:$0xb]  }
0x48: {  	[hbm4b:s2+s3] =	stream.indirect_vreg.scatter [tilespmem:s13], [sflag:$0x3], $0x80, v3, vm0, $0xb8;
	[tilespmem:$0x18100] =	vst v63  }
0x49: {  	s12 =	rddreg [dreg:$0xc]  }
0x4a: {  	[hbm4b:s4+s3] =	stream.indirect_vreg.scatter [tilespmem:s12], [sflag:$0x3], $0x80, v3, vm0, $0xb8;
	[tilespmem:$0x18100] =	vst v63  }
0x4b: {  	s13 =	rddreg [dreg:$0xd]  }
0x4c: {  	[hbm4b:s5+s3] =	stream.indirect_vreg.scatter [tilespmem:s13], [sflag:$0x3], $0x80, v3, vm0, $0xb8;
	[tilespmem:$0x18100] =	vst v63  }
0x4d: {  	v3 =	vld [tilespmem:$0x10];
	_ =	sdelay $0x4  }
0x4e: {  	v57 =	vshrl.u32 v3, $0x3  }
0x4f: {  	v4 =	vmul.u32 $0x30, v57  }
0x50: {  	v3 =	vand.u32 $0x7, v3  }
0x51: {  	v3 =	vor.u32 v3, v4  }
0x52: {  	v4 =	vperm.xlane v3, v0;
	_ =	sdelay $0x1  }
0x53: {  	v4 =	vadd.s32 v1, v4;
	_ =	sdelay $0x3  }
0x54: {  	s12 =	rddreg [dreg:$0xe];
	v3 =	vperm.xlane v3, v2  }
0x55: {  	[hbm4b:s2+s3] =	stream.indirect_vreg.scatter [tilespmem:s12], [sflag:$0x3], $0x80, v4, vm0, $0xb8;
	[tilespmem:$0x18100] =	vst v63  }
0x56: {  	s13 =	rddreg [dreg:$0xf];
	v3 =	vadd.s32 v1, v3  }
0x57: {  	[hbm4b:s4+s3] =	stream.indirect_vreg.scatter [tilespmem:s13], [sflag:$0x3], $0x80, v4, vm0, $0xb8;
	[tilespmem:$0x18100] =	vst v63  }
0x58: {  	s1 =	rddreg [dreg:$0x10]  }
0x59: {  	[hbm4b:s5+s3] =	stream.indirect_vreg.scatter [tilespmem:s1], [sflag:$0x3], $0x80, v4, vm0, $0xb8;
	[tilespmem:$0x18100] =	vst v63  }
0x5a: {  	s13 =	rddreg [dreg:$0x11]  }
0x5b: {  	[hbm4b:s2+s3] =	stream.indirect_vreg.scatter [tilespmem:s13], [sflag:$0x3], $0x80, v3, vm0, $0xb8;
	[tilespmem:$0x18100] =	vst v63  }
0x5c: {  	s1 =	rddreg [dreg:$0x12]  }
0x5d: {  	[hbm4b:s4+s3] =	stream.indirect_vreg.scatter [tilespmem:s1], [sflag:$0x3], $0x80, v3, vm0, $0xb8;
	[tilespmem:$0x18100] =	vst v63  }
0x5e: {  	s13 =	rddreg [dreg:$0x13]  }
0x5f: {  	[hbm4b:s5+s3] =	stream.indirect_vreg.scatter [tilespmem:s13], [sflag:$0x3], $0x80, v3, vm0, $0xb8;
	[tilespmem:$0x18100] =	vst v63  }
0x60: {  	v3 =	vld [tilespmem:$0x20];
	_ =	sdelay $0x4  }
0x61: {  	v58 =	vshrl.u32 v3, $0x3  }
0x62: {  	v4 =	vmul.u32 $0x30, v58  }
0x63: {  	v3 =	vand.u32 $0x7, v3  }
0x64: {  	v3 =	vor.u32 v3, v4  }
0x65: {  	v4 =	vperm.xlane v3, v0;
	_ =	sdelay $0x1  }
0x66: {  	v4 =	vadd.s32 v1, v4;
	_ =	sdelay $0x3  }
0x67: {  	s12 =	rddreg [dreg:$0x14];
	v3 =	vperm.xlane v3, v2  }
0x68: {  	[hbm4b:s2+s3] =	stream.indirect_vreg.scatter [tilespmem:s12], [sflag:$0x3], $0x80, v4, vm0, $0xb8;
	[tilespmem:$0x18100] =	vst v63  }
0x69: {  	s13 =	rddreg [dreg:$0x15];
	v3 =	vadd.s32 v1, v3  }
0x6a: {  	[hbm4b:s4+s3] =	stream.indirect_vreg.scatter [tilespmem:s13], [sflag:$0x3], $0x80, v4, vm0, $0xb8;
	[tilespmem:$0x18100] =	vst v63  }
0x6b: {  	s1 =	rddreg [dreg:$0x16]  }
0x6c: {  	[hbm4b:s5+s3] =	stream.indirect_vreg.scatter [tilespmem:s1], [sflag:$0x3], $0x80, v4, vm0, $0xb8;
	[tilespmem:$0x18100] =	vst v63  }
0x6d: {  	s13 =	rddreg [dreg:$0x17]  }
0x6e: {  	[hbm4b:s2+s3] =	stream.indirect_vreg.scatter [tilespmem:s13], [sflag:$0x3], $0x80, v3, vm0, $0xb8;
	[tilespmem:$0x18100] =	vst v63  }
0x6f: {  	s1 =	rddreg [dreg:$0x18]  }
0x70: {  	[hbm4b:s4+s3] =	stream.indirect_vreg.scatter [tilespmem:s1], [sflag:$0x3], $0x80, v3, vm0, $0xb8;
	[tilespmem:$0x18100] =	vst v63  }
0x71: {  	s13 =	rddreg [dreg:$0x19]  }
0x72: {  	[hbm4b:s5+s3] =	stream.indirect_vreg.scatter [tilespmem:s13], [sflag:$0x3], $0x80, v3, vm0, $0xb8;
	[tilespmem:$0x18100] =	vst v63  }
0x73: {  	v3 =	vld [tilespmem:$0x30];
	_ =	sdelay $0x4  }
0x74: {  	v59 =	vshrl.u32 v3, $0x3  }
0x75: {  	v4 =	vmul.u32 $0x30, v59  }
0x76: {  	v3 =	vand.u32 $0x7, v3  }
0x77: {  	v3 =	vor.u32 v3, v4  }
0x78: {  	v4 =	vperm.xlane v3, v0;
	_ =	sdelay $0x1  }
0x79: {  	v4 =	vadd.s32 v1, v4;
	_ =	sdelay $0x3  }
0x7a: {  	s12 =	rddreg [dreg:$0x1a];
	v3 =	vperm.xlane v3, v2  }
0x7b: {  	[hbm4b:s2+s3] =	stream.indirect_vreg.scatter [tilespmem:s12], [sflag:$0x3], $0x80, v4, vm0, $0xb8;
	[tilespmem:$0x18100] =	vst v63  }
0x7c: {  	s13 =	rddreg [dreg:$0x1b];
	v3 =	vadd.s32 v1, v3  }
0x7d: {  	[hbm4b:s4+s3] =	stream.indirect_vreg.scatter [tilespmem:s13], [sflag:$0x3], $0x80, v4, vm0, $0xb8;
	[tilespmem:$0x18100] =	vst v63  }
0x7e: {  	s1 =	rddreg [dreg:$0x1c]  }
0x7f: {  	[hbm4b:s5+s3] =	stream.indirect_vreg.scatter [tilespmem:s1], [sflag:$0x3], $0x80, v4, vm0, $0xb8;
	[tilespmem:$0x18100] =	vst v63  }
0x80: {  	s13 =	rddreg [dreg:$0x1d]  }
0x81: {  	[hbm4b:s2+s3] =	stream.indirect_vreg.scatter [tilespmem:s13], [sflag:$0x3], $0x80, v3, vm0, $0xb8;
	[tilespmem:$0x18100] =	vst v63  }
0x82: {  	s1 =	rddreg [dreg:$0x1e]  }
0x83: {  	[hbm4b:s4+s3] =	stream.indirect_vreg.scatter [tilespmem:s1], [sflag:$0x3], $0x80, v3, vm0, $0xb8;
	[tilespmem:$0x18100] =	vst v63  }
0x84: {  	s13 =	rddreg [dreg:$0x1f]  }
0x85: {  	[hbm4b:s5+s3] =	stream.indirect_vreg.scatter [tilespmem:s13], [sflag:$0x3], $0x80, v3, vm0, $0xb8;
	[tilespmem:$0x18100] =	vst v63  }
0x86: {  	_ =	swait.ge [sflag:s11], $0xC000  }
0x87: {  	[sflag:s11] =	ssyncset.done $0x0  }
0x88: {  	[sflag:s11] =	ssyncadd.s32 $0xFFFF4000  }
0x89: {  	v3 =	vld [tilespmem:$0x80];
	_ =	sdelay $0x4  }
0x8a: {  	v60 =	vshrl.u32 v3, $0x3  }
0x8b: {  	v4 =	vmul.u32 $0x30, v60  }
0x8c: {  	v3 =	vand.u32 $0x7, v3  }
0x8d: {  	v3 =	vor.u32 v3, v4  }
0x8e: {  	v4 =	vperm.xlane v3, v0;
	_ =	sdelay $0x1  }
0x8f: {  	v4 =	vadd.s32 v1, v4;
	_ =	sdelay $0x3  }
0x90: {  	s13 =	sld [smem:$0x7FB];
	v3 =	vperm.xlane v3, v2  }
0x91: {  	[hbm4b:s2+s3] =	stream.indirect_vreg.scatter [tilespmem:s8], [sflag:$0x3], $0x80, v4, vm0, $0xb8;
	[tilespmem:$0x18100] =	vst v63  }
0x92: {  	s12 =	sld [smem:$0x7FC];
	v3 =	vadd.s32 v1, v3  }
0x93: {  	[hbm4b:s4+s3] =	stream.indirect_vreg.scatter [tilespmem:s13], [sflag:$0x3], $0x80, v4, vm0, $0xb8;
	[tilespmem:$0x18100] =	vst v63  }
0x94: {  	s13 =	sld [smem:$0x7FD]  }
0x95: {  	[hbm4b:s5+s3] =	stream.indirect_vreg.scatter [tilespmem:s12], [sflag:$0x3], $0x80, v4, vm0, $0xb8;
	[tilespmem:$0x18100] =	vst v63  }
0x96: {  	_ = 	snop  }
0x97: {  	[hbm4b:s2+s3] =	stream.indirect_vreg.scatter [tilespmem:s13], [sflag:$0x3], $0x80, v3, vm0, $0xb8;
	[tilespmem:$0x18100] =	vst v63  }
0x98: {  	s12 =	simm.s32 $0xE100  }
0x99: {  	[hbm4b:s4+s3] =	stream.indirect_vreg.scatter [tilespmem:s12], [sflag:$0x3], $0x80, v3, vm0, $0xb8;
	[tilespmem:$0x18100] =	vst v63  }
0x9a: {  	s13 =	simm.s32 $0xE900  }
0x9b: {  	[hbm4b:s5+s3] =	stream.indirect_vreg.scatter [tilespmem:s13], [sflag:$0x3], $0x80, v3, vm0, $0xb8;
	[tilespmem:$0x18100] =	vst v63  }
0x9c: {  	v3 =	vld [tilespmem:$0x90];
	_ =	sdelay $0x4  }
0x9d: {  	v61 =	vshrl.u32 v3, $0x3  }
0x9e: {  	v4 =	vmul.u32 $0x30, v61  }
0x9f: {  	v3 =	vand.u32 $0x7, v3  }
0xa0: {  	v3 =	vor.u32 v3, v4  }
0xa1: {  	v4 =	vperm.xlane v3, v0;
	_ =	sdelay $0x1  }
0xa2: {  	v4 =	vadd.s32 v1, v4;
	_ =	sdelay $0x3  }
0xa3: {  	v3 =	vperm.xlane v3, v2  }
0xa4: {  	[hbm4b:s2+s3] =	stream.indirect_vreg.scatter [tilespmem:s14], [sflag:$0x3], $0x80, v4, vm0, $0xb8;
	[tilespmem:$0x18100] =	vst v63  }
0xa5: {  	v3 =	vadd.s32 v1, v3  }
0xa6: {  	[hbm4b:s4+s3] =	stream.indirect_vreg.scatter [tilespmem:s15], [sflag:$0x3], $0x80, v4, vm0, $0xb8;
	[tilespmem:$0x18100] =	vst v63  }
0xa7: {  	_ = 	snop  }
0xa8: {  	[hbm4b:s5+s3] =	stream.indirect_vreg.scatter [tilespmem:s16], [sflag:$0x3], $0x80, v4, vm0, $0xb8;
	[tilespmem:$0x18100] =	vst v63  }
0xa9: {  	_ = 	snop  }
0xaa: {  	[hbm4b:s2+s3] =	stream.indirect_vreg.scatter [tilespmem:s17], [sflag:$0x3], $0x80, v3, vm0, $0xb8;
	[tilespmem:$0x18100] =	vst v63  }
0xab: {  	_ = 	snop  }
0xac: {  	[hbm4b:s4+s3] =	stream.indirect_vreg.scatter [tilespmem:s18], [sflag:$0x3], $0x80, v3, vm0, $0xb8;
	[tilespmem:$0x18100] =	vst v63  }
0xad: {  	_ = 	snop  }
0xae: {  	[hbm4b:s5+s3] =	stream.indirect_vreg.scatter [tilespmem:s19], [sflag:$0x3], $0x80, v3, vm0, $0xb8;
	[tilespmem:$0x18100] =	vst v63  }
0xaf: {  	v3 =	vld [tilespmem:$0xA0];
	_ =	sdelay $0x4  }
0xb0: {  	v62 =	vshrl.u32 v3, $0x3  }
0xb1: {  	v4 =	vmul.u32 $0x30, v62  }
0xb2: {  	v3 =	vand.u32 $0x7, v3  }
0xb3: {  	v3 =	vor.u32 v3, v4  }
0xb4: {  	v4 =	vperm.xlane v3, v0;
	_ =	sdelay $0x1  }
0xb5: {  	v4 =	vadd.s32 v1, v4;
	_ =	sdelay $0x3  }
0xb6: {  	v3 =	vperm.xlane v3, v2  }
0xb7: {  	[hbm4b:s2+s3] =	stream.indirect_vreg.scatter [tilespmem:s20], [sflag:$0x3], $0x80, v4, vm0, $0xb8;
	[tilespmem:$0x18100] =	vst v63  }
0xb8: {  	v3 =	vadd.s32 v1, v3  }
0xb9: {  	[hbm4b:s4+s3] =	stream.indirect_vreg.scatter [tilespmem:s21], [sflag:$0x3], $0x80, v4, vm0, $0xb8;
	[tilespmem:$0x18100] =	vst v63  }
0xba: {  	_ = 	snop  }
0xbb: {  	[hbm4b:s5+s3] =	stream.indirect_vreg.scatter [tilespmem:s22], [sflag:$0x3], $0x80, v4, vm0, $0xb8;
	[tilespmem:$0x18100] =	vst v63  }
0xbc: {  	_ = 	snop  }
0xbd: {  	[hbm4b:s2+s3] =	stream.indirect_vreg.scatter [tilespmem:s23], [sflag:$0x3], $0x80, v3, vm0, $0xb8;
	[tilespmem:$0x18100] =	vst v63  }
0xbe: {  	_ = 	snop  }
0xbf: {  	[hbm4b:s4+s3] =	stream.indirect_vreg.scatter [tilespmem:s24], [sflag:$0x3], $0x80, v3, vm0, $0xb8;
	[tilespmem:$0x18100] =	vst v63  }
0xc0: {  	_ = 	snop  }
0xc1: {  	[hbm4b:s5+s3] =	stream.indirect_vreg.scatter [tilespmem:s25], [sflag:$0x3], $0x80, v3, vm0, $0xb8;
	[tilespmem:$0x18100] =	vst v63  }
0xc2: {  	v3 =	vld [tilespmem:$0xB0];
	_ =	sdelay $0x4  }
0xc3: {  	v63 =	vshrl.u32 v3, $0x3  }
0xc4: {  	v4 =	vmul.u32 $0x30, v63  }
0xc5: {  	v3 =	vand.u32 $0x7, v3  }
0xc6: {  	v3 =	vor.u32 v3, v4  }
0xc7: {  	v4 =	vperm.xlane v3, v0;
	_ =	sdelay $0x1  }
0xc8: {  	v4 =	vadd.s32 v1, v4;
	_ =	sdelay $0x3  }
0xc9: {  	v3 =	vperm.xlane v3, v2  }
0xca: {  	[hbm4b:s2+s3] =	stream.indirect_vreg.scatter [tilespmem:s26], [sflag:$0x3], $0x80, v4, vm0, $0xb8;
	[tilespmem:$0x18100] =	vst v63  }
0xcb: {  	v3 =	vadd.s32 v1, v3  }
0xcc: {  	[hbm4b:s4+s3] =	stream.indirect_vreg.scatter [tilespmem:s28], [sflag:$0x3], $0x80, v4, vm0, $0xb8;
	[tilespmem:$0x18100] =	vst v63  }
0xcd: {  	_ = 	snop  }
0xce: {  	[hbm4b:s5+s3] =	stream.indirect_vreg.scatter [tilespmem:s29], [sflag:$0x3], $0x80, v4, vm0, $0xb8;
	[tilespmem:$0x18100] =	vst v63  }
0xcf: {  	_ = 	snop  }
0xd0: {  	[hbm4b:s2+s3] =	stream.indirect_vreg.scatter [tilespmem:s30], [sflag:$0x3], $0x80, v3, vm0, $0xb8;
	[tilespmem:$0x18100] =	vst v63  }
0xd1: {  	_ = 	snop  }
0xd2: {  	[hbm4b:s4+s3] =	stream.indirect_vreg.scatter [tilespmem:s31], [sflag:$0x3], $0x80, v3, vm0, $0xb8;
	[tilespmem:$0x18100] =	vst v63  }
0xd3: {  	_ = 	snop  }
0xd4: {  	[hbm4b:s5+s3] =	stream.indirect_vreg.scatter [tilespmem:s0], [sflag:$0x3], $0x80, v3, vm0, $0xb8;
	[tilespmem:$0x18100] =	vst v63  }
0xd5: {  	p0 =	sne.s32 s6, $0x1;
	_ =	swait.ge [sflag:s9], $0xC000  }
.Ltmp0:
0xd6: {  	[sflag:s9] =	ssyncset.done $0x0;
	(pc) =	sbr.rel @p0 .LBB2_1-.Ltmp0, $4  }
0xd7: {  	[sflag:s9] =	ssyncadd.s32 $0xFFFF4000  }
0xd8: {  	_ =	swait.ge [sflag:s9], $0xC000  }
0xd9: {  	[sflag:s9] =	ssyncset.done $0x0  }
0xda: {  	s6 =	sadd.s32 $0xFFFFFFFF, s6;
	[sflag:s9] =	ssyncadd.s32 $0xFFFF4000  }
0xdb: {  	_ =	sfence.sel $0x180000  }
0xdc: {  	[bflag:$0x0] =	sbarrier.arrive $0xFFFF  }
0xdd: {  	_ =	strace $0x90000047  }
0xde: {  	s0 =	stileid.u32;
	[bflag:$0x2] =	sbarrier.arrive $0xFFFF  }
0xdf: {  	p0 =	sne.s32 s0, $0x0;
	s0 =	rddreg [dreg:$0x3]  }
0xe0: {  	s0 =	sadd.s32 @!p0 $0x100000, s0  }
0xe1: {  	[sflag:s0] =	ssyncadd.tile.s32 @!p0 $0x1;
	_ =	shalt  }
.Lfunc_end2:
_tile_overlayer_lowered:
.L_overlay_start_2:
0xe2: {  	(tag) =	ssettag $0x2  }
0xe3: {  	s0 =	rddreg [dreg:$0x0];
	s2 =	stileid.u32  }
0xe4: {  	s1 =	rddreg [dreg:$0x1];
	p0 =	sne.s32 s2, $0x0  }
0xe5: {  	s3 =	rddreg [dreg:$0x2];
	[bflag:$0x3] =	sbarrier.arrive $0xFFFF;
	s2 =	simm.s32 @!p0 $0x1C04  }
0xe6: {  	[timem:s3], [sflag:s2] =	dma.local @!p0 [hbm:s0], s1  }
0xe7: {  	s0 =	simm.s32 @!p0 $0x4  }
0xe8: {  	_ =	swait.ge @!p0 [sflag:s0], s1  }
0xe9: {  	s1 =	ssub.s32 @!p0 $0x0, s1;
	[sflag:s0] =	ssyncset.done @!p0 $0x0  }
0xea: {  	[sflag:s0] =	ssyncadd.s32 @!p0 s1  }
0xeb: {  	[bflag:$0x3] =	sbarrier.arrive $0xFFFF  }
0xec: {  	_ =	shalt  }

// kernel: kernel.9.cloned.1.call-start
scs
__scs_entry_jumppad:
0x0: {  	(pc) =	sbr.rel $0x88, $3  }
0x1: {  	(tag) =	ssettag $0x0;
	lr =	simm.s32 $0x1  }
0x2: {  	[smem:$0x3F9A] =	sst lr;
	_ =	strace $0xD0000000  }
0x3: {  	_ = 	snop  }
0x4: {  	_ = 	snop  }
0x5: {  	_ = 	snop  }
0x6: {  	_ = 	snop  }
0x7: {  	_ = 	snop  }
__scs_overlays_trampoline_lowered:
0x8: {  	[smem:$0x3FA9] =	sst s0  }
0x9: {  	[smem:$0x3FAA] =	sst s1  }
0xa: {  	[smem:$0x3FAB] =	sst s2  }
0xb: {  	[smem:$0x3FAC] =	sst s3  }
0xc: {  	[smem:$0x3FAD] =	sst s4  }
0xd: {  	[smem:$0x3FAE] =	sst s5  }
0xe: {  	[smem:$0x3FAF] =	sst s6  }
0xf: {  	[smem:$0x3FB0] =	sst s7  }
0x10: {  	[smem:$0x3FB1] =	sst s8  }
0x11: {  	[smem:$0x3FB2] =	sst s9;
	s0 =	simm.s32 @!p0 $0x0  }
0x12: {  	s1 =	sld [smem:$0x3F98];
	s0 =	simm.s32 @p0 $0x1  }
0x13: {  	[smem:$0x3FB3] =	sst s0;
	s0 =	simm.s32 @!p1 $0x0  }
0x14: {  	s2 =	sld [smem:$0x3F97];
	s0 =	simm.s32 @p1 $0x1  }
0x15: {  	[smem:$0x3FB4] =	sst s0;
	s0 =	simm.s32 @!p2 $0x0  }
0x16: {  	s3 =	sld [smem:$0x3FDB];
	s0 =	simm.s32 @p2 $0x1  }
0x17: {  	s4 =	simm.s32 $0x1BF5;
	[smem:$0x3FB6] =	sst s0  }
0x18: {  	s0 =	sld [smem:$0x3F99];
	_ =	swait.ge [sflag:s4], $0x0  }
0x19: {  	s7 =	sld [smem:$0x3F9A]  }
0x1a: {  	s8 =	sadd.s32 $0xFFFFE003, lr  }
0x1b: {  	s9 =	sadd.s32 $0xFFFFFEF7, lr;
	s5 =	simm.s32 $0xFFFFFFFF;
	p2 =	slt.u32 s8, $0xFFFFF086  }
0x1c: {  	p1 =	slt.u32 s9, $0xF7A;
	s5 =	simm.s32 @!p2 $0x0  }
0x1d: {  	s5 =	simm.s32 @p1 $0x1;
	p0 =	seq.s32 s7, s2  }
0x1e: {  	s7 =	smul.u32 @!p0 $0xF7A, s2;
	p2 =	seq.s32 @!p0 s5, $0x0  }
0x1f: {  	s9 =	smul.u32 $0xF7A, s1;
	s8 =	simm.s32 @!p0 $0x1BF5;
	p2 =	por !p2, p0  }
0x20: {  	[sflag:s8] =	ssyncset.s32 @!p0 $0xFFFFF086;
	s6 =	sadd.s32 @!p0 s3, s7;
	s7 =	simm.s32 @!p0 $0x108  }
0x21: {  	s3 =	sadd.s32 s3, s9;
	s6 =	sadd.s32 @!p0 $0x88, s6;
	s7 =	simm.s32 @p2 $0x1082  }
0x22: {  	[simem:s7], [sflag:s8] =	dma.local @!p0 [hbm:s6], $0xF7A  }
0x23: {  	s9 =	sor.u32 $0xD0000000, s2;
	s6 =	simm.s32 $0x108;
	_ =	swait.ge @!p0 [sflag:s8], $0x0  }
0x24: {  	s3 =	sadd.s32 $0x88, s3;
	s6 =	simm.s32 @!p1 $0x1082;
	[sflag:s4] =	ssyncset.s32 $0xFFFFF086  }
0x25: {  	[simem:s6], [sflag:s4] =	dma.local [hbm:s3], $0xF7A  }
0x26: {  	[smem:$0x3F9A] =	sst s1;
	(tag) =	ssettag s2;
	_ =	strace s9  }
0x27: {  	s1 =	sld [smem:$0x3FAA]  }
0x28: {  	s2 =	sld [smem:$0x3FAB]  }
0x29: {  	s4 =	sld [smem:$0x3FAD]  }
0x2a: {  	p0 =	seq.s32 s5, $0x0;
	s5 =	sld [smem:$0x3FAE]  }
0x2b: {  	s6 =	sld [smem:$0x3FAF]  }
0x2c: {  	s7 =	sld [smem:$0x3FB0]  }
0x2d: {  	s3 =	simm.s32 $0x108;
	s8 =	sld [smem:$0x3FB1]  }
0x2e: {  	s3 =	simm.s32 @!p0 $0x1082;
	s9 =	sld [smem:$0x3FB2]  }
0x2f: {  	lr =	sadd.s32 s0, s3;
	s0 =	sld [smem:$0x3FA9]  }
0x30: {  	s3 =	sld [smem:$0x3FAC]  }
0x31: {  	[smem:$0x3FB5] =	sst s10  }
0x32: {  	s10 =	sld [smem:$0x3FB3];
	_ =	sdelay $0x3  }
0x33: {  	p0 =	seq.s32 s10, $0x1;
	s10 =	sld [smem:$0x3FB5];
	_ =	sdelay $0x3  }
0x34: {  	[smem:$0x3FB5] =	sst s10  }
0x35: {  	s10 =	sld [smem:$0x3FB4];
	_ =	sdelay $0x3  }
0x36: {  	p1 =	seq.s32 s10, $0x1;
	s10 =	sld [smem:$0x3FB5];
	_ =	sdelay $0x3  }
0x37: {  	[smem:$0x3FB5] =	sst s10  }
0x38: {  	s10 =	sld [smem:$0x3FB6]  }
0x39: {  	_ = 	snop;
	(pc) =	sbr.ind lr, $3  }
0x3a: {  	_ = 	snop  }
0x3b: {  	_ = 	snop  }
0x3c: {  	p2 =	seq.s32 s10, $0x1;
	s10 =	sld [smem:$0x3FB5]  }
0x3d: {  	_ =	shalt  }
0x3e: {  	_ =	shalt  }
0x3f: {  	_ =	shalt  }
0x40: {  	_ =	shalt  }
0x41: {  	_ =	shalt  }
0x42: {  	_ =	shalt  }
0x43: {  	_ =	shalt  }
0x44: {  	_ =	shalt  }
0x45: {  	_ =	shalt  }
0x46: {  	_ =	shalt  }
0x47: {  	_ =	shalt  }
0x48: {  	_ =	shalt  }
0x49: {  	_ =	shalt  }
0x4a: {  	_ =	shalt  }
0x4b: {  	_ =	shalt  }
0x4c: {  	_ =	shalt  }
0x4d: {  	_ =	shalt  }
0x4e: {  	_ =	shalt  }
0x4f: {  	_ =	shalt  }
0x50: {  	_ =	shalt  }
0x51: {  	_ =	shalt  }
0x52: {  	_ =	shalt  }
0x53: {  	_ =	shalt  }
0x54: {  	_ =	shalt  }
0x55: {  	_ =	shalt  }
0x56: {  	_ =	shalt  }
0x57: {  	_ =	shalt  }
0x58: {  	_ =	shalt  }
0x59: {  	_ =	shalt  }
0x5a: {  	_ =	shalt  }
0x5b: {  	_ =	shalt  }
0x5c: {  	_ =	shalt  }
0x5d: {  	_ =	shalt  }
0x5e: {  	_ =	shalt  }
0x5f: {  	_ =	shalt  }
0x60: {  	_ =	shalt  }
0x61: {  	_ =	shalt  }
0x62: {  	_ =	shalt  }
0x63: {  	_ =	shalt  }
0x64: {  	_ =	shalt  }
0x65: {  	_ =	shalt  }
0x66: {  	_ =	shalt  }
0x67: {  	_ =	shalt  }
0x68: {  	_ =	shalt  }
0x69: {  	_ =	shalt  }
0x6a: {  	_ =	shalt  }
0x6b: {  	_ =	shalt  }
0x6c: {  	_ =	shalt  }
0x6d: {  	_ =	shalt  }
0x6e: {  	_ =	shalt  }
0x6f: {  	_ =	shalt  }
0x70: {  	_ =	shalt  }
0x71: {  	_ =	shalt  }
0x72: {  	_ =	shalt  }
0x73: {  	_ =	shalt  }
0x74: {  	_ =	shalt  }
0x75: {  	_ =	shalt  }
0x76: {  	_ =	shalt  }
0x77: {  	_ =	shalt  }
0x78: {  	_ =	shalt  }
0x79: {  	_ =	shalt  }
0x7a: {  	_ =	shalt  }
0x7b: {  	_ =	shalt  }
0x7c: {  	_ =	shalt  }
0x7d: {  	_ =	shalt  }
0x7e: {  	_ =	shalt  }
0x7f: {  	_ =	shalt  }
0x80: {  	_ =	shalt  }
0x81: {  	_ =	shalt  }
0x82: {  	_ =	shalt  }
0x83: {  	_ =	shalt  }
0x84: {  	_ =	shalt  }
0x85: {  	_ =	shalt  }
0x86: {  	_ =	shalt  }
0x87: {  	_ =	shalt  }
.Lfunc_end0:
.L_simem_size_0:
called_computation.1_lowered:
.L_overlay_start_0:
0x88: {  	s2 =	sld [smem:$0x3FD9]  }
0x89: {  	s3 =	sld [smem:$0x3FFE];
	_ =	sdelay $0x1  }
0x8a: {  	s1 =	srdreg.scid  }
0x8b: {  	s0 =	sand.u32 $0x1, s1  }
0x8c: {  	s17 =	sshll.u32 s0, $0xA;
	s2 =	sadd.s32 s3, s2  }
0x8d: {  	s2 =	sadd.s32 s2, s17  }
0x8e: {  	[smem:$0x3FC1] =	sst s2  }
0x8f: {  	_ = 	snop  }
0x90: {  	s2 =	sld [smem:$0x3FD0];
	(tm) =	ssettm $0x1  }
0x91: {  	s18 =	sld [smem:$0x3FFB];
	_ =	sdelay $0x3  }
0x92: {  	_ =	strace s18  }
0x93: {  	s3 =	sld [smem:$0x3FFC];
	_ =	sdelay $0x3  }
0x94: {  	_ =	strace s3  }
0x95: {  	s3 =	sld [smem:$0x3FFD];
	_ =	sdelay $0x3  }
0x96: {  	_ =	strace s3  }
0x97: {  	_ =	strace $0x8FFFFFFF  }
0x98: {  	s19 =	sld [smem:$0x3FDB];
	_ =	sdelay $0x1  }
0x99: {  	s4 =	simm.s32 $_scs_section_size  }
0x9a: {  	s5 =	simm.s32 $_size__tile_overlayer_lowered;
	s6 =	simm.s32 $_tile_overlayer_lowered  }
0x9b: {  	s22 =	simm.s32 $0x1BFF;
	s21 =	sshll.u32 s6, $0x1;
	s3 =	sadd.s32 s4, s19  }
0x9c: {  	s7 =	simm.s32 $0x0;
	s20 =	sshll.u32 s5, $0x1;
	s5 =	sadd.s32 s21, s3  }
0x9d: {  	[timem:s7], [sflag:s22] =	dma.local [hbm:s5], s20  }
0x9e: {  	_ =	swait.ge [sflag:s22], s20  }
0x9f: {  	s4 =	ssub.s32 $0x0, s20;
	[sflag:s22] =	ssyncset.done $0x0  }
0xa0: {  	[sflag:s22] =	ssyncadd.s32 s4;
	_ =	sdelay $0x1  }
0xa1: {  	s23 =	simm.s32 $0x1B8B  }
0xa2: {  	_ =	swait.ge [sflag:s23], $0x1  }
0xa3: {  	[sflag:s23] =	ssyncset.done $0x0  }
0xa4: {  	s25 =	simm.s32 $0x1B8E;
	s24 =	sld [smem:$0x3FFE];
	[sflag:s23] =	ssyncadd.s32 $0xFFFFFFFF  }
0xa5: {  	s26 =	simm.s32 $execute0_lowered;
	[smem:$0x3FD2] =	sst s25  }
0xa6: {  	s5 =	sshll.u32 s26, $0x1;
	_ =	strace $0x80000049;
	[dreg:$0x1] =	wrdreg $0xFFFFFFFF  }
0xa7: {  	s28 =	simm.s32 $_size_execute0_lowered;
	s3 =	sadd.s32 s3, s5;
	[dreg:$0x0] =	wrdreg $0x0  }
0xa8: {  	s5 =	sshll.u32 s28, $0x1;
	[dreg:$0x2] =	wrdreg s3  }
0xa9: {  	[dreg:$0x3] =	wrdreg s5  }
0xaa: {  	[dreg:$0x4] =	wrdreg $0xC0  }
0xab: {  	_ =	task [dreg:s7], $0x5FFFF  }
0xac: {  	[dreg:$0x1] =	wrdreg $0xFFFFFFFF  }
0xad: {  	[dreg:$0x0] =	wrdreg $0x60  }
0xae: {  	[dreg:$0x2] =	wrdreg s24  }
0xaf: {  	[dreg:$0x3] =	wrdreg s2  }
0xb0: {  	[dreg:$0x4] =	wrdreg $0x9  }
0xb1: {  	_ =	task.clear_ibuf [dreg:s7], $0x5FFFF;
	_ =	strace $0x90000049  }
0xb2: {  	s29 =	simm.s32 $0x9;
	_ =	strace $0x8000004B  }
0xb3: {  	_ =	swait.ge [sflag:s29], $0x1  }
0xb4: {  	[sflag:s29] =	ssyncadd.s32 $0xFFFFFFFF  }
0xb5: {  	_ =	strace $0x9000004B  }
0xb6: {  	_ =	sfence  }
0xb7: {  	s30 =	sld [smem:$0x0];
	_ =	sdelay $0x2  }
0xb8: {  	s31 =	sshll.u32 s1, $0xD;
	s1 =	sshrl.u32 s1, $0x2  }
0xb9: {  	s3 =	sand.u32 $0x4000, s31;
	s1 =	sadd.s32 s1, s30  }
0xba: {  	s0 =	sor.u32 s3, s0;
	s1 =	sshll.u32 s1, $0x11  }
0xbb: {  	s0 =	sor.u32 s1, s0  }
0xbc: {  	s0 =	sadd.s32 $0x8F2B, s0  }
0xbd: {  	[sflag:s0] =	ssyncadd.remote.s32 $0x1  }
0xbe: {  	_ =	sfence.sel $0xFFFF  }
0xbf: {  	[dreg:$0x0] =	wrdreg $0xFFFFFFFF;
	(pc) =	sbr.abs _section_cstart, $3  }
0xc0: {  	[dreg:$0x1] =	wrdreg $0xFFFFFFFF  }
0xc1: {  	_ =	task.clear_ibuf [dreg:s7], $0x2FFFF;
	_ =	strace $0x9FFFFFFF  }
0xc2: {  	(tm) =	ssettm $0x7FFFFFFF  }
0xc3: {  	_ =	shalt  }
tec
execute0_lowered:
.L_overlay_start_1:
0x0: {  	(tag) =	ssettag $0x1  }
0x1: {  	s0 =	rddreg [dreg:$0x0]  }
0x2: {  	s3 =	rddreg [dreg:$0x1];
	s2 =	simm.s32 $0x0  }
0x3: {  	s22 =	simm.s32 $0x80;
	[smem:$0x7FF] =	sst s2  }
0x4: {  	s23 =	simm.s32 $0x900;
	_ =	strace $0x8000004A;
	[dreg:$0x7] =	wrdreg s22  }
0x5: {  	s24 =	simm.s32 $0x1100;
	[dreg:$0x8] =	wrdreg s23  }
0x6: {  	s25 =	simm.s32 $0x1900;
	[dreg:$0x9] =	wrdreg s24  }
0x7: {  	s1 =	stileid.u32;
	s26 =	simm.s32 $0x2100;
	[dreg:$0xa] =	wrdreg s25  }
0x8: {  	s5 =	sshll.u32 s1, $0x5;
	s1 =	simm.s32 $0x2900;
	[dreg:$0xb] =	wrdreg s26  }
0x9: {  	s9 =	simm.s32 $0x5100;
	[dreg:$0xc] =	wrdreg s1  }
0xa: {  	s4 =	srdreg.scid;
	s10 =	simm.s32 $0x5900;
	[dreg:$0x11] =	wrdreg s9  }
0xb: {  	s11 =	simm.s32 $0x6100;
	s12 =	simm.s32 $0x6900;
	[dreg:$0x12] =	wrdreg s10  }
0xc: {  	s13 =	simm.s32 $0x7100;
	s14 =	simm.s32 $0x7900;
	[dreg:$0x13] =	wrdreg s11  }
0xd: {  	s15 =	simm.s32 $0x8100;
	s16 =	simm.s32 $0x8900;
	[dreg:$0x14] =	wrdreg s12  }
0xe: {  	s17 =	simm.s32 $0x9100;
	s18 =	simm.s32 $0x9900;
	[dreg:$0x15] =	wrdreg s13  }
0xf: {  	s28 =	simm.s32 $0x16900;
	s29 =	simm.s32 $0x17100;
	[dreg:$0x16] =	wrdreg s14  }
0x10: {  	s30 =	simm.s32 $0x17900;
	s31 =	simm.s32 $0x1;
	[dreg:$0x17] =	wrdreg s15  }
0x11: {  	s4 =	sand.u32 $0x1, s4;
	s7 =	sadd.s32 $0x1800, s0;
	[dreg:$0x18] =	wrdreg s16  }
0x12: {  	s6 =	sshll.u32 s4, $0x4;
	s4 =	ssub.s32 $0x2, s4;
	[dreg:$0x19] =	wrdreg s17  }
0x13: {  	[dreg:$0x1a] =	wrdreg s18;
	s22 =	simm.s32 $0xB100;
	s23 =	simm.s32 $0xB900  }
0x14: {  	s24 =	simm.s32 $0xC900;
	s25 =	simm.s32 $0xD100;
	s26 =	simm.s32 $0xD900  }
0x15: {  	s9 =	simm.s32 $0xC100;
	s12 =	simm.s32 $0xF100;
	[dreg:$0x1d] =	wrdreg s22  }
0x16: {  	s13 =	simm.s32 $0xF900;
	s14 =	simm.s32 $0x10100;
	[dreg:$0x1e] =	wrdreg s23  }
0x17: {  	s15 =	simm.s32 $0x10900;
	s16 =	simm.s32 $0x11100;
	[dreg:$0x1f] =	wrdreg s24  }
0x18: {  	s17 =	simm.s32 $0x11900;
	s18 =	simm.s32 $0x12100;
	[smem:$0x7FC] =	sst s25  }
0x19: {  	s5 =	sor.u32 s6, s5;
	s19 =	sshrl.u32 s4, $0x1;
	[smem:$0x7FD] =	sst s26  }
0x1a: {  	s22 =	simm.s32 $0x14100;
	s23 =	simm.s32 $0x14900;
	s24 =	simm.s32 $0x15100  }
0x1b: {  	s25 =	simm.s32 $0x15900;
	s6 =	sadd.s32 s7, s5;
	s8 =	sor.u32 $0x8, s5  }
0x1c: {  	s26 =	simm.s32 $0x16100;
	[dreg:$0x3] =	wrdreg s6;
	s20 =	sadd.s32 s7, s8  }
0x1d: {  	s5 =	smul.u32 $0x300, s5;
	s6 =	simm.s32 $0x3900;
	[dreg:$0x4] =	wrdreg s20  }
0x1e: {  	s21 =	smul.u32 $0x300, s8;
	s7 =	simm.s32 $0x4100;
	[dreg:$0xe] =	wrdreg s6  }
0x1f: {  	s8 =	simm.s32 $0x4900;
	s5 =	sadd.s32 s3, s5;
	[dreg:$0xf] =	wrdreg s7  }
0x20: {  	[dreg:$0x10] =	wrdreg s8;
	s20 =	simm.s32 $0xA100;
	s6 =	ssub.s32 s4, s19  }
0x21: {  	s4 =	sadd.s32 $0x1B00, s0;
	s7 =	simm.s32 $0x3;
	[dreg:$0x5] =	wrdreg s5  }
0x22: {  	s8 =	simm.s32 $0x100;
	s3 =	sadd.s32 s3, s21;
	[dreg:$0x1b] =	wrdreg s20  }
0x23: {  	s19 =	simm.s32 $0x12900;
	s5 =	simm.s32 $0x3100;
	[dreg:$0x6] =	wrdreg s3  }
0x24: {  	v2 =	vlaneseq.u32;
	s21 =	simm.s32 $0xA900;
	s6 =	smax.u32 s6, $0x1;
	[dreg:$0xd] =	wrdreg s5  }
0x25: {  	vm0 =	vmmov $0xffff;
	v1 =	vshrl.u32 v2, $0x3;
	s20 =	simm.s32 $0x13100;
	s3 =	sadd.s32 $0x1A00, s0;
	[dreg:$0x1c] =	wrdreg s21  }
0x26: {  	v0 =	vand.u32 $0x7, v2;
	v2 =	vor.u32 $0x8, v2;
	v1 =	vmul.u32 $0x8, v1;
	s5 =	sadd.s32 $0x1C00, s0;
	s21 =	simm.s32 $0x13900;
	s0 =	simm.s32 $0x2  }
.LBB2_1:
0x27: {  	s1 =	rddreg [dreg:$0x3]  }
0x28: {  	s10 =	rddreg [dreg:$0x4]  }
0x29: {  	[tilespmem:s2], [sflag:$0x3] =	stream.linear.gather [hbm4b:s1+s2], $0x40, $0x38;
	[tilespmem:$0x18100] =	vst v63  }
0x2a: {  	s11 =	rddreg [dreg:$0x7]  }
0x2b: {  	[tilespmem:s11], [sflag:$0x3] =	stream.linear.gather [hbm4b:s10+s2], $0x40, $0x38;
	[tilespmem:$0x18100] =	vst v63  }
0x2c: {  	_ =	swait.ge [sflag:s7], $0x40  }
0x2d: {  	[sflag:s7] =	ssyncset.done $0x0  }
0x2e: {  	[sflag:s7] =	ssyncadd.s32 $0xFFFFFFC0  }
0x2f: {  	v3 =	vld [tilespmem:$0x0];
	_ =	sdelay $0x4  }
0x30: {  	v4 =	vshrl.u32 v3, $0x3  }
0x31: {  	v4 =	vmul.u32 $0x30, v4  }
0x32: {  	v3 =	vand.u32 $0x7, v3  }
0x33: {  	v3 =	vor.u32 v3, v4  }
0x34: {  	v4 =	vperm.xlane v3, v0;
	_ =	sdelay $0x1  }
0x35: {  	v4 =	vadd.s32 v1, v4;
	_ =	sdelay $0x3  }
0x36: {  	v3 =	vperm.xlane v3, v2  }
0x37: {  	[tilespmem:s8], [sflag:$0x1] =	stream.indirect_vreg.gather [hbm4b:s3+s2], $0x80, v4, vm0, $0xb8;
	[tilespmem:$0x18100] =	vst v63  }
0x38: {  	s11 =	rddreg [dreg:$0x8];
	v3 =	vadd.s32 v1, v3  }
0x39: {  	[tilespmem:s11], [sflag:$0x1] =	stream.indirect_vreg.gather [hbm4b:s4+s2], $0x80, v4, vm0, $0xb8;
	[tilespmem:$0x18100] =	vst v63  }
0x3a: {  	s10 =	rddreg [dreg:$0x9]  }
0x3b: {  	[tilespmem:s10], [sflag:$0x1] =	stream.indirect_vreg.gather [hbm4b:s5+s2], $0x80, v4, vm0, $0xb8;
	[tilespmem:$0x18100] =	vst v63  }
0x3c: {  	s11 =	rddreg [dreg:$0xa]  }
0x3d: {  	[tilespmem:s11], [sflag:$0x1] =	stream.indirect_vreg.gather [hbm4b:s3+s2], $0x80, v3, vm0, $0xb8;
	[tilespmem:$0x18100] =	vst v63  }
0x3e: {  	s10 =	rddreg [dreg:$0xb]  }
0x3f: {  	[tilespmem:s10], [sflag:$0x1] =	stream.indirect_vreg.gather [hbm4b:s4+s2], $0x80, v3, vm0, $0xb8;
	[tilespmem:$0x18100] =	vst v63  }
0x40: {  	s11 =	rddreg [dreg:$0xc]  }
0x41: {  	[tilespmem:s11], [sflag:$0x1] =	stream.indirect_vreg.gather [hbm4b:s5+s2], $0x80, v3, vm0, $0xb8;
	[tilespmem:$0x18100] =	vst v63  }
0x42: {  	v3 =	vld [tilespmem:$0x10];
	_ =	sdelay $0x4  }
0x43: {  	v57 =	vshrl.u32 v3, $0x3  }
0x44: {  	v4 =	vmul.u32 $0x30, v57  }
0x45: {  	v3 =	vand.u32 $0x7, v3  }
0x46: {  	v3 =	vor.u32 v3, v4  }
0x47: {  	v4 =	vperm.xlane v3, v0;
	_ =	sdelay $0x1  }
0x48: {  	v4 =	vadd.s32 v1, v4;
	_ =	sdelay $0x3  }
0x49: {  	s10 =	rddreg [dreg:$0xd];
	v3 =	vperm.xlane v3, v2  }
0x4a: {  	[tilespmem:s10], [sflag:$0x1] =	stream.indirect_vreg.gather [hbm4b:s3+s2], $0x80, v4, vm0, $0xb8;
	[tilespmem:$0x18100] =	vst v63  }
0x4b: {  	s11 =	rddreg [dreg:$0xe];
	v3 =	vadd.s32 v1, v3  }
0x4c: {  	[tilespmem:s11], [sflag:$0x1] =	stream.indirect_vreg.gather [hbm4b:s4+s2], $0x80, v4, vm0, $0xb8;
	[tilespmem:$0x18100] =	vst v63  }
0x4d: {  	s1 =	rddreg [dreg:$0xf]  }
0x4e: {  	[tilespmem:s1], [sflag:$0x1] =	stream.indirect_vreg.gather [hbm4b:s5+s2], $0x80, v4, vm0, $0xb8;
	[tilespmem:$0x18100] =	vst v63  }
0x4f: {  	s11 =	rddreg [dreg:$0x10]  }
0x50: {  	[tilespmem:s11], [sflag:$0x1] =	stream.indirect_vreg.gather [hbm4b:s3+s2], $0x80, v3, vm0, $0xb8;
	[tilespmem:$0x18100] =	vst v63  }
0x51: {  	s1 =	rddreg [dreg:$0x11]  }
0x52: {  	[tilespmem:s1], [sflag:$0x1] =	stream.indirect_vreg.gather [hbm4b:s4+s2], $0x80, v3, vm0, $0xb8;
	[tilespmem:$0x18100] =	vst v63  }
0x53: {  	s11 =	rddreg [dreg:$0x12]  }
0x54: {  	[tilespmem:s11], [sflag:$0x1] =	stream.indirect_vreg.gather [hbm4b:s5+s2], $0x80, v3, vm0, $0xb8;
	[tilespmem:$0x18100] =	vst v63  }
0x55: {  	v3 =	vld [tilespmem:$0x20];
	_ =	sdelay $0x4  }
0x56: {  	v58 =	vshrl.u32 v3, $0x3  }
0x57: {  	v4 =	vmul.u32 $0x30, v58  }
0x58: {  	v3 =	vand.u32 $0x7, v3  }
0x59: {  	v3 =	vor.u32 v3, v4  }
0x5a: {  	v4 =	vperm.xlane v3, v0;
	_ =	sdelay $0x1  }
0x5b: {  	v4 =	vadd.s32 v1, v4;
	_ =	sdelay $0x3  }
0x5c: {  	s10 =	rddreg [dreg:$0x13];
	v3 =	vperm.xlane v3, v2  }
0x5d: {  	[tilespmem:s10], [sflag:$0x1] =	stream.indirect_vreg.gather [hbm4b:s3+s2], $0x80, v4, vm0, $0xb8;
	[tilespmem:$0x18100] =	vst v63  }
0x5e: {  	s11 =	rddreg [dreg:$0x14];
	v3 =	vadd.s32 v1, v3  }
0x5f: {  	[tilespmem:s11], [sflag:$0x1] =	stream.indirect_vreg.gather [hbm4b:s4+s2], $0x80, v4, vm0, $0xb8;
	[tilespmem:$0x18100] =	vst v63  }
0x60: {  	s1 =	rddreg [dreg:$0x15]  }
0x61: {  	[tilespmem:s1], [sflag:$0x1] =	stream.indirect_vreg.gather [hbm4b:s5+s2], $0x80, v4, vm0, $0xb8;
	[tilespmem:$0x18100] =	vst v63  }
0x62: {  	s11 =	rddreg [dreg:$0x16]  }
0x63: {  	[tilespmem:s11], [sflag:$0x1] =	stream.indirect_vreg.gather [hbm4b:s3+s2], $0x80, v3, vm0, $0xb8;
	[tilespmem:$0x18100] =	vst v63  }
0x64: {  	s1 =	rddreg [dreg:$0x17]  }
0x65: {  	[tilespmem:s1], [sflag:$0x1] =	stream.indirect_vreg.gather [hbm4b:s4+s2], $0x80, v3, vm0, $0xb8;
	[tilespmem:$0x18100] =	vst v63  }
0x66: {  	s11 =	rddreg [dreg:$0x18]  }
0x67: {  	[tilespmem:s11], [sflag:$0x1] =	stream.indirect_vreg.gather [hbm4b:s5+s2], $0x80, v3, vm0, $0xb8;
	[tilespmem:$0x18100] =	vst v63  }
0x68: {  	v3 =	vld [tilespmem:$0x30];
	_ =	sdelay $0x4  }
0x69: {  	v59 =	vshrl.u32 v3, $0x3  }
0x6a: {  	v4 =	vmul.u32 $0x30, v59  }
0x6b: {  	v3 =	vand.u32 $0x7, v3  }
0x6c: {  	v3 =	vor.u32 v3, v4  }
0x6d: {  	v4 =	vperm.xlane v3, v0;
	_ =	sdelay $0x1  }
0x6e: {  	v4 =	vadd.s32 v1, v4;
	_ =	sdelay $0x3  }
0x6f: {  	s10 =	rddreg [dreg:$0x19];
	v3 =	vperm.xlane v3, v2  }
0x70: {  	[tilespmem:s10], [sflag:$0x1] =	stream.indirect_vreg.gather [hbm4b:s3+s2], $0x80, v4, vm0, $0xb8;
	[tilespmem:$0x18100] =	vst v63  }
0x71: {  	s11 =	rddreg [dreg:$0x1a];
	v3 =	vadd.s32 v1, v3  }
0x72: {  	[tilespmem:s11], [sflag:$0x1] =	stream.indirect_vreg.gather [hbm4b:s4+s2], $0x80, v4, vm0, $0xb8;
	[tilespmem:$0x18100] =	vst v63  }
0x73: {  	s1 =	rddreg [dreg:$0x1b]  }
0x74: {  	[tilespmem:s1], [sflag:$0x1] =	stream.indirect_vreg.gather [hbm4b:s5+s2], $0x80, v4, vm0, $0xb8;
	[tilespmem:$0x18100] =	vst v63  }
0x75: {  	s11 =	rddreg [dreg:$0x1c]  }
0x76: {  	[tilespmem:s11], [sflag:$0x1] =	stream.indirect_vreg.gather [hbm4b:s3+s2], $0x80, v3, vm0, $0xb8;
	[tilespmem:$0x18100] =	vst v63  }
0x77: {  	s1 =	rddreg [dreg:$0x1d]  }
0x78: {  	[tilespmem:s1], [sflag:$0x1] =	stream.indirect_vreg.gather [hbm4b:s4+s2], $0x80, v3, vm0, $0xb8;
	[tilespmem:$0x18100] =	vst v63  }
0x79: {  	s11 =	rddreg [dreg:$0x1e]  }
0x7a: {  	[tilespmem:s11], [sflag:$0x1] =	stream.indirect_vreg.gather [hbm4b:s5+s2], $0x80, v3, vm0, $0xb8;
	[tilespmem:$0x18100] =	vst v63  }
0x7b: {  	_ =	swait.ge [sflag:s7], $0x40  }
0x7c: {  	[sflag:s7] =	ssyncset.done $0x0  }
0x7d: {  	[sflag:s7] =	ssyncadd.s32 $0xFFFFFFC0  }
0x7e: {  	v3 =	vld [tilespmem:$0x80];
	_ =	sdelay $0x4  }
0x7f: {  	v60 =	vshrl.u32 v3, $0x3  }
0x80: {  	v4 =	vmul.u32 $0x30, v60  }
0x81: {  	v3 =	vand.u32 $0x7, v3  }
0x82: {  	v3 =	vor.u32 v3, v4  }
0x83: {  	v4 =	vperm.xlane v3, v0;
	_ =	sdelay $0x1  }
0x84: {  	v4 =	vadd.s32 v1, v4;
	_ =	sdelay $0x3  }
0x85: {  	s11 =	rddreg [dreg:$0x1f];
	v3 =	vperm.xlane v3, v2  }
0x86: {  	[tilespmem:s9], [sflag:$0x2] =	stream.indirect_vreg.gather [hbm4b:s3+s2], $0x80, v4, vm0, $0xb8;
	[tilespmem:$0x18100] =	vst v63  }
0x87: {  	s10 =	sld [smem:$0x7FC];
	v3 =	vadd.s32 v1, v3  }
0x88: {  	[tilespmem:s11], [sflag:$0x2] =	stream.indirect_vreg.gather [hbm4b:s4+s2], $0x80, v4, vm0, $0xb8;
	[tilespmem:$0x18100] =	vst v63  }
0x89: {  	s11 =	sld [smem:$0x7FD]  }
0x8a: {  	[tilespmem:s10], [sflag:$0x2] =	stream.indirect_vreg.gather [hbm4b:s5+s2], $0x80, v4, vm0, $0xb8;
	[tilespmem:$0x18100] =	vst v63  }
0x8b: {  	_ = 	snop  }
0x8c: {  	[tilespmem:s11], [sflag:$0x2] =	stream.indirect_vreg.gather [hbm4b:s3+s2], $0x80, v3, vm0, $0xb8;
	[tilespmem:$0x18100] =	vst v63  }
0x8d: {  	s10 =	simm.s32 $0xE100  }
0x8e: {  	[tilespmem:s10], [sflag:$0x2] =	stream.indirect_vreg.gather [hbm4b:s4+s2], $0x80, v3, vm0, $0xb8;
	[tilespmem:$0x18100] =	vst v63  }
0x8f: {  	s11 =	simm.s32 $0xE900  }
0x90: {  	[tilespmem:s11], [sflag:$0x2] =	stream.indirect_vreg.gather [hbm4b:s5+s2], $0x80, v3, vm0, $0xb8;
	[tilespmem:$0x18100] =	vst v63  }
0x91: {  	v3 =	vld [tilespmem:$0x90];
	_ =	sdelay $0x4  }
0x92: {  	v61 =	vshrl.u32 v3, $0x3  }
0x93: {  	v4 =	vmul.u32 $0x30, v61  }
0x94: {  	v3 =	vand.u32 $0x7, v3  }
0x95: {  	v3 =	vor.u32 v3, v4  }
0x96: {  	v4 =	vperm.xlane v3, v0;
	_ =	sdelay $0x1  }
0x97: {  	v4 =	vadd.s32 v1, v4;
	_ =	sdelay $0x3  }
0x98: {  	v3 =	vperm.xlane v3, v2  }
0x99: {  	[tilespmem:s12], [sflag:$0x2] =	stream.indirect_vreg.gather [hbm4b:s3+s2], $0x80, v4, vm0, $0xb8;
	[tilespmem:$0x18100] =	vst v63  }
0x9a: {  	v3 =	vadd.s32 v1, v3  }
0x9b: {  	[tilespmem:s13], [sflag:$0x2] =	stream.indirect_vreg.gather [hbm4b:s4+s2], $0x80, v4, vm0, $0xb8;
	[tilespmem:$0x18100] =	vst v63  }
0x9c: {  	_ = 	snop  }
0x9d: {  	[tilespmem:s14], [sflag:$0x2] =	stream.indirect_vreg.gather [hbm4b:s5+s2], $0x80, v4, vm0, $0xb8;
	[tilespmem:$0x18100] =	vst v63  }
0x9e: {  	_ = 	snop  }
0x9f: {  	[tilespmem:s15], [sflag:$0x2] =	stream.indirect_vreg.gather [hbm4b:s3+s2], $0x80, v3, vm0, $0xb8;
	[tilespmem:$0x18100] =	vst v63  }
0xa0: {  	_ = 	snop  }
0xa1: {  	[tilespmem:s16], [sflag:$0x2] =	stream.indirect_vreg.gather [hbm4b:s4+s2], $0x80, v3, vm0, $0xb8;
	[tilespmem:$0x18100] =	vst v63  }
0xa2: {  	_ = 	snop  }
0xa3: {  	[tilespmem:s17], [sflag:$0x2] =	stream.indirect_vreg.gather [hbm4b:s5+s2], $0x80, v3, vm0, $0xb8;
	[tilespmem:$0x18100] =	vst v63  }
0xa4: {  	v3 =	vld [tilespmem:$0xA0];
	_ =	sdelay $0x4  }
0xa5: {  	v62 =	vshrl.u32 v3, $0x3  }
0xa6: {  	v4 =	vmul.u32 $0x30, v62  }
0xa7: {  	v3 =	vand.u32 $0x7, v3  }
0xa8: {  	v3 =	vor.u32 v3, v4  }
0xa9: {  	v4 =	vperm.xlane v3, v0;
	_ =	sdelay $0x1  }
0xaa: {  	v4 =	vadd.s32 v1, v4;
	_ =	sdelay $0x3  }
0xab: {  	v3 =	vperm.xlane v3, v2  }
0xac: {  	[tilespmem:s18], [sflag:$0x2] =	stream.indirect_vreg.gather [hbm4b:s3+s2], $0x80, v4, vm0, $0xb8;
	[tilespmem:$0x18100] =	vst v63  }
0xad: {  	v3 =	vadd.s32 v1, v3  }
0xae: {  	[tilespmem:s19], [sflag:$0x2] =	stream.indirect_vreg.gather [hbm4b:s4+s2], $0x80, v4, vm0, $0xb8;
	[tilespmem:$0x18100] =	vst v63  }
0xaf: {  	_ = 	snop  }
0xb0: {  	[tilespmem:s20], [sflag:$0x2] =	stream.indirect_vreg.gather [hbm4b:s5+s2], $0x80, v4, vm0, $0xb8;
	[tilespmem:$0x18100] =	vst v63  }
0xb1: {  	_ = 	snop  }
0xb2: {  	[tilespmem:s21], [sflag:$0x2] =	stream.indirect_vreg.gather [hbm4b:s3+s2], $0x80, v3, vm0, $0xb8;
	[tilespmem:$0x18100] =	vst v63  }
0xb3: {  	_ = 	snop  }
0xb4: {  	[tilespmem:s22], [sflag:$0x2] =	stream.indirect_vreg.gather [hbm4b:s4+s2], $0x80, v3, vm0, $0xb8;
	[tilespmem:$0x18100] =	vst v63  }
0xb5: {  	_ = 	snop  }
0xb6: {  	[tilespmem:s23], [sflag:$0x2] =	stream.indirect_vreg.gather [hbm4b:s5+s2], $0x80, v3, vm0, $0xb8;
	[tilespmem:$0x18100] =	vst v63  }
0xb7: {  	v3 =	vld [tilespmem:$0xB0];
	_ =	sdelay $0x4  }
0xb8: {  	v63 =	vshrl.u32 v3, $0x3  }
0xb9: {  	v4 =	vmul.u32 $0x30, v63  }
0xba: {  	v3 =	vand.u32 $0x7, v3  }
0xbb: {  	v3 =	vor.u32 v3, v4  }
0xbc: {  	v4 =	vperm.xlane v3, v0;
	_ =	sdelay $0x1  }
0xbd: {  	v4 =	vadd.s32 v1, v4;
	_ =	sdelay $0x3  }
0xbe: {  	v3 =	vperm.xlane v3, v2  }
0xbf: {  	[tilespmem:s24], [sflag:$0x2] =	stream.indirect_vreg.gather [hbm4b:s3+s2], $0x80, v4, vm0, $0xb8;
	[tilespmem:$0x18100] =	vst v63  }
0xc0: {  	v3 =	vadd.s32 v1, v3  }
0xc1: {  	[tilespmem:s25], [sflag:$0x2] =	stream.indirect_vreg.gather [hbm4b:s4+s2], $0x80, v4, vm0, $0xb8;
	[tilespmem:$0x18100] =	vst v63  }
0xc2: {  	_ = 	snop  }
0xc3: {  	[tilespmem:s26], [sflag:$0x2] =	stream.indirect_vreg.gather [hbm4b:s5+s2], $0x80, v4, vm0, $0xb8;
	[tilespmem:$0x18100] =	vst v63  }
0xc4: {  	_ = 	snop  }
0xc5: {  	[tilespmem:s28], [sflag:$0x2] =	stream.indirect_vreg.gather [hbm4b:s3+s2], $0x80, v3, vm0, $0xb8;
	[tilespmem:$0x18100] =	vst v63  }
0xc6: {  	_ = 	snop  }
0xc7: {  	[tilespmem:s29], [sflag:$0x2] =	stream.indirect_vreg.gather [hbm4b:s4+s2], $0x80, v3, vm0, $0xb8;
	[tilespmem:$0x18100] =	vst v63  }
0xc8: {  	_ = 	snop  }
0xc9: {  	[tilespmem:s30], [sflag:$0x2] =	stream.indirect_vreg.gather [hbm4b:s5+s2], $0x80, v3, vm0, $0xb8;
	[tilespmem:$0x18100] =	vst v63  }
0xca: {  	_ =	swait.ge [sflag:s31], $0xC000  }
0xcb: {  	[sflag:s31] =	ssyncset.done $0x0  }
0xcc: {  	s10 =	rddreg [dreg:$0x5];
	[sflag:s31] =	ssyncadd.s32 $0xFFFF4000  }
0xcd: {  	[hbm4b:s10+s2] =	stream.linear.scatter [tilespmem:s8], [sflag:$0x3], $0xC000, $0x38;
	[tilespmem:$0x18100] =	vst v63  }
0xce: {  	_ =	swait.ge [sflag:s0], $0xC000  }
0xcf: {  	[sflag:s0] =	ssyncset.done $0x0  }
0xd0: {  	s11 =	rddreg [dreg:$0x6];
	[sflag:s0] =	ssyncadd.s32 $0xFFFF4000  }
0xd1: {  	[hbm4b:s11+s2] =	stream.linear.scatter [tilespmem:s9], [sflag:$0x3], $0xC000, $0x38;
	[tilespmem:$0x18100] =	vst v63  }
0xd2: {  	p0 =	sne.s32 s6, $0x1;
	_ =	swait.ge [sflag:s7], $0xC000  }
.Ltmp0:
0xd3: {  	[sflag:s7] =	ssyncset.done $0x0;
	(pc) =	sbr.rel @p0 .LBB2_1-.Ltmp0, $4  }
0xd4: {  	[sflag:s7] =	ssyncadd.s32 $0xFFFF4000  }
0xd5: {  	_ =	swait.ge [sflag:s7], $0xC000  }
0xd6: {  	[sflag:s7] =	ssyncset.done $0x0  }
0xd7: {  	s6 =	sadd.s32 $0xFFFFFFFF, s6;
	[sflag:s7] =	ssyncadd.s32 $0xFFFF4000  }
0xd8: {  	_ =	sfence.sel $0x180000  }
0xd9: {  	[bflag:$0x0] =	sbarrier.arrive $0xFFFF  }
0xda: {  	_ =	strace $0x9000004A  }
0xdb: {  	s0 =	stileid.u32;
	[bflag:$0x2] =	sbarrier.arrive $0xFFFF  }
0xdc: {  	p0 =	sne.s32 s0, $0x0;
	s0 =	rddreg [dreg:$0x2]  }
0xdd: {  	s0 =	sadd.s32 @!p0 $0x100000, s0  }
0xde: {  	[sflag:s0] =	ssyncadd.tile.s32 @!p0 $0x1;
	_ =	shalt  }
.Lfunc_end2:
_tile_overlayer_lowered:
.L_overlay_start_2:
0xdf: {  	(tag) =	ssettag $0x2  }
0xe0: {  	s0 =	rddreg [dreg:$0x0];
	s2 =	stileid.u32  }
0xe1: {  	s1 =	rddreg [dreg:$0x1];
	p0 =	sne.s32 s2, $0x0  }
0xe2: {  	s3 =	rddreg [dreg:$0x2];
	[bflag:$0x3] =	sbarrier.arrive $0xFFFF;
	s2 =	simm.s32 @!p0 $0x1C04  }
0xe3: {  	[timem:s3], [sflag:s2] =	dma.local @!p0 [hbm:s0], s1  }
0xe4: {  	s0 =	simm.s32 @!p0 $0x4  }
0xe5: {  	_ =	swait.ge @!p0 [sflag:s0], s1  }
0xe6: {  	s1 =	ssub.s32 @!p0 $0x0, s1;
	[sflag:s0] =	ssyncset.done @!p0 $0x0  }
0xe7: {  	[sflag:s0] =	ssyncadd.s32 @!p0 s1  }
0xe8: {  	[bflag:$0x3] =	sbarrier.arrive $0xFFFF  }
0xe9: {  	_ =	shalt  }

</sc_bundles>
